<compile_context>
chip_gen: v7x
topology: tpu7x:2x2x1
jax: 0.10.2.dev20260603
libtpu: 0.0.44.dev20260713+nightly
codegen_flags: <defaults>
</compile_context>

<pallas_src>
import functools

import jax
import jax.numpy as jnp
from jax import lax
from jax.experimental import pallas as pl
from jax.experimental.pallas import tpu as pltpu
from jax.experimental.pallas import tpu_sc as plsc

B = 16384
DSET = 1000
DOM = 100
M = 16
D = 128


G = 512
NG = B // G


def _tc_body(ds_smem, table_ref, out_ref):
    g = pl.program_id(0)

    for j in range(G):
        out_ref[j] = table_ref[ds_smem[g * G + j]]


@jax.jit
def _tc_call(dataset_id, sys4d):
    return pl.pallas_call(
        _tc_body,
        grid_spec=pltpu.PrefetchScalarGridSpec(
            num_scalar_prefetch=1,
            grid=(NG,),
            in_specs=[
                pl.BlockSpec((DSET, M, D), lambda g, ds: (0, 0, 0)),
            ],
            out_specs=pl.BlockSpec((G, M, D), lambda g, ds: (g, 0, 0)),
        ),
        out_shape=jax.ShapeDtypeStruct((B, M, D), jnp.float32),
    )(dataset_id, sys4d)



NC = 2
NS = 16
NW = NC * NS
BPW = B // NW
L = 16

C2 = 128
N2 = BPW // C2


def _sc_body(ds_hbm, dom_hbm, domtab_hbm, out2_hbm,
             ds_v, flat_v, buf2, sem_g, sem_w):
    wid = lax.axis_index("s") * NC + lax.axis_index("c")
    base = wid * BPW

    pltpu.sync_copy(ds_hbm.at[pl.ds(base, BPW)], ds_v)
    pltpu.sync_copy(dom_hbm.at[pl.ds(base, BPW)], flat_v)

    for i in range(BPW // L):
        sl = pl.ds(i * L, L)
        flat_v[sl] = ds_v[sl] * (DOM + 4) + flat_v[sl]

    g = pltpu.async_copy(domtab_hbm.at[flat_v.at[pl.ds(0, C2)]],
                         buf2.at[0], sem_g)
    writes = []
    for c in range(N2):
        g.wait()
        if c + 1 < N2:
            g = pltpu.async_copy(
                domtab_hbm.at[flat_v.at[pl.ds((c + 1) * C2, C2)]],
                buf2.at[(c + 1) % 2], sem_g)
        if len(writes) == 2:
            writes.pop(0).wait()
        writes.append(pltpu.async_copy(
            buf2.at[c % 2], out2_hbm.at[pl.ds(base + c * C2, C2)], sem_w))
    for w in writes:
        w.wait()


@jax.jit
def _sc_call(dataset_id, domain_id, dom_flat):
    mesh = plsc.VectorSubcoreMesh(core_axis_name="c", subcore_axis_name="s",
                                  num_cores=NC, num_subcores=NS)
    return pl.kernel(
        _sc_body,
        out_type=jax.ShapeDtypeStruct((B, D), jnp.float32),
        mesh=mesh,
        scratch_types=[
            pltpu.VMEM((BPW,), jnp.int32),
            pltpu.VMEM((BPW,), jnp.int32),
            pltpu.VMEM((2, C2, D), jnp.float32),
            pltpu.SemaphoreType.DMA,
            pltpu.SemaphoreType.DMA,
        ],
        compiler_params=pltpu.CompilerParams(use_tc_tiling_on_sc=True, allow_input_fusion=[False, False, True]),
    )(dataset_id, domain_id, dom_flat)


def kernel(Dataset_id, Domain_id, system_prompts, domain_prompts,
           phys_dataset_emb, phys_domain_emb):
    del phys_dataset_emb, phys_domain_emb
    dom_pad = jnp.pad(domain_prompts, ((0, 0), (0, 4), (0, 0)))
    out2 = _sc_call(Dataset_id, Domain_id,
                    dom_pad.reshape(DSET * (DOM + 4), D))
    out1 = _tc_call(Dataset_id, system_prompts)
    return out1, out2

# --- scband reference (transcript-rebuilt; emitter-appended) ---
"""Pipeline reference for scband-prompt-library-87866440941678 (READ-ONLY COPY).

The authoritative reference and input builder live on the scoring server;
editing this copy changes nothing except your own understanding.
"""

import jax, jax.numpy as jnp
import numpy as np

B = 16384
DSET = 1000
DOM = 100
M = 16
D = 128


def setup_inputs(seed: int = 0) -> dict:
    key = jax.random.key(seed)
    k1, k2, k3, k4, k5, k6 = jax.random.split(key, 6)
    return {
        "Dataset_id": jax.random.randint(k1, (B,), 0, DSET, dtype=jnp.int32),
        "Domain_id": jax.random.randint(k2, (B,), 0, DOM, dtype=jnp.int32),
        "system_prompts": jax.random.normal(k3, (DSET, M, D), dtype=jnp.float32) * 0.02,
        "domain_prompts": jax.random.normal(k4, (DSET, DOM, D), dtype=jnp.float32) * 0.02,
        "phys_dataset_emb": jax.random.normal(k5, (DSET, D), dtype=jnp.float32) * 0.02,
        "phys_domain_emb": jax.random.normal(k6, (DOM, D), dtype=jnp.float32) * 0.02,
    }


def reference(Dataset_id, Domain_id, system_prompts, domain_prompts, phys_dataset_emb, phys_domain_emb):
    # _compute_physics_prompt: SystemPromptEncoder modeled as sum of two embedding lookups
    # (computed by forward() even in 'random' mode, but not included in the output)
    physics_prompt = jnp.take(phys_dataset_emb, Dataset_id, axis=0) + jnp.take(phys_domain_emb, Domain_id, axis=0)
    # _gather_system_prompts: [B, M, D]
    system_prompt = jnp.take(system_prompts, Dataset_id, axis=0)
    # _gather_domain_prompts: fancy 2-axis gather -> [B, D]
    domain_prompt = domain_prompts[Dataset_id, Domain_id]
    # library_type == 'random': prompts = system_prompt; physics_prompt discarded (None in output)
    _ = physics_prompt
    prompts = system_prompt
    return (prompts, domain_prompt)

if __name__ == "__main__":
    import jax
    _d = setup_inputs()
    print(jax.jit(kernel)(*tuple(_d.values())))

</pallas_src>

<mosaic_0001>
#map = affine_map<(d0, d1) -> (0)>
#map1 = affine_map<(d0, d1) -> (0, 0)>
module attributes {stable_mosaic.version = 14 : i64} {
  func.func @_sc_body(%arg0: i32, %arg1: i32, %arg2: memref<16384xi32, #tpu.memory_space<hbm>>, %arg3: memref<16384xi32, #tpu.memory_space<hbm>>, %arg4: memref<104000x128xf32, #tpu.memory_space<hbm>>, %arg5: memref<16384x128xf32, #tpu.memory_space<hbm>>, %arg6: memref<512xi32, #tpu.memory_space<vmem>>, %arg7: memref<512xi32, #tpu.memory_space<vmem>>, %arg8: memref<2x128x128xf32, #tpu.memory_space<vmem>>, %arg9: memref<!tpu.dma_semaphore, #tpu.memory_space<semaphore_mem>>, %arg10: memref<!tpu.dma_semaphore, #tpu.memory_space<semaphore_mem>>) attributes {dimension_semantics = [#tpu.dimension_semantics<core_parallel>, #tpu.dimension_semantics<subcore_parallel>], iteration_bounds = array<i64: 2, 16>, scalar_prefetch = 0 : i64, scratch_operands = 5 : i64, tpu.core_type = #tpu.core_type<sc_vector_subcore>, window_params = [{transform_indices = #map}, {transform_indices = #map}, {transform_indices = #map1}, {transform_indices = #map1}]} {
    %mul3A = arith.constant 2 : i32
    %mul3A_0 = arith.muli %arg1, %mul3A : i32
    %add3A = arith.addi %mul3A_0, %arg0 : i32
    %mul3A_1 = arith.constant 512 : i32
    %mul3A_2 = arith.muli %add3A, %mul3A_1 : i32
    "tpu.region"() ({
      %run_scoped3A = tpu.sem_alloc : memref<!tpu.dma_semaphore, #tpu.memory_space<semaphore_mem>>
      %dma_start3A_639 = tpu.memref_slice %arg2[%mul3A_2] : memref<16384xi32, #tpu.memory_space<hbm>> -> memref<512xi32, #tpu.memory_space<hbm>>
      %dma_start3A_640 = tpu.memref_slice %arg2[%mul3A_2] : memref<16384xi32, #tpu.memory_space<hbm>> -> memref<512xi32, #tpu.memory_space<hbm>>
      tpu.enqueue_dma source(%dma_start3A_640 : memref<512xi32, #tpu.memory_space<hbm>>) target(%arg6 : memref<512xi32, #tpu.memory_space<vmem>>) target_semaphore(%run_scoped3A : memref<!tpu.dma_semaphore, #tpu.memory_space<semaphore_mem>>)
      %dma_wait3A_641 = tpu.memref_slice %arg2[%mul3A_2] : memref<16384xi32, #tpu.memory_space<hbm>> -> memref<512xi32, #tpu.memory_space<hbm>>
      %dma_wait3A_642 = tpu.memref_slice %arg2[%mul3A_2] : memref<16384xi32, #tpu.memory_space<hbm>> -> memref<512xi32, #tpu.memory_space<hbm>>
      tpu.wait_dma2 semaphore(%run_scoped3A : memref<!tpu.dma_semaphore, #tpu.memory_space<semaphore_mem>>) src(%dma_wait3A_642 : memref<512xi32, #tpu.memory_space<hbm>>) dst(%arg6 : memref<512xi32, #tpu.memory_space<vmem>>)
      tpu.yield
    }) : () -> ()
    "tpu.region"() ({
      %run_scoped3A = tpu.sem_alloc : memref<!tpu.dma_semaphore, #tpu.memory_space<semaphore_mem>>
      %dma_start3A_639 = tpu.memref_slice %arg3[%mul3A_2] : memref<16384xi32, #tpu.memory_space<hbm>> -> memref<512xi32, #tpu.memory_space<hbm>>
      %dma_start3A_640 = tpu.memref_slice %arg3[%mul3A_2] : memref<16384xi32, #tpu.memory_space<hbm>> -> memref<512xi32, #tpu.memory_space<hbm>>
      tpu.enqueue_dma source(%dma_start3A_640 : memref<512xi32, #tpu.memory_space<hbm>>) target(%arg7 : memref<512xi32, #tpu.memory_space<vmem>>) target_semaphore(%run_scoped3A : memref<!tpu.dma_semaphore, #tpu.memory_space<semaphore_mem>>)
      %dma_wait3A_641 = tpu.memref_slice %arg3[%mul3A_2] : memref<16384xi32, #tpu.memory_space<hbm>> -> memref<512xi32, #tpu.memory_space<hbm>>
      %dma_wait3A_642 = tpu.memref_slice %arg3[%mul3A_2] : memref<16384xi32, #tpu.memory_space<hbm>> -> memref<512xi32, #tpu.memory_space<hbm>>
      tpu.wait_dma2 semaphore(%run_scoped3A : memref<!tpu.dma_semaphore, #tpu.memory_space<semaphore_mem>>) src(%dma_wait3A_642 : memref<512xi32, #tpu.memory_space<hbm>>) dst(%arg7 : memref<512xi32, #tpu.memory_space<vmem>>)
      tpu.yield
    }) : () -> ()
    %get3A = arith.constant 0 : index
    %get3A_3 = tpu.vector_load %arg6[%get3A] {strides = array<i32>} : memref<512xi32, #tpu.memory_space<vmem>>, vector<16xi32>,
    %get3A_4 = vector.shape_cast %get3A_3 : vector<16xi32> to vector<16xi32>
    %mul3A_5 = arith.constant 104 : i32
    %mul3A_6 = vector.broadcast %mul3A_5 : i32 to vector<16xi32>
    %mul3A_7 = arith.muli %get3A_4, %mul3A_6 : vector<16xi32>
    %get3A_8 = arith.constant 0 : index
    %get3A_9 = tpu.vector_load %arg7[%get3A_8] {strides = array<i32>} : memref<512xi32, #tpu.memory_space<vmem>>, vector<16xi32>,
    %get3A_10 = vector.shape_cast %get3A_9 : vector<16xi32> to vector<16xi32>
    %add3A_11 = arith.addi %mul3A_7, %get3A_10 : vector<16xi32>
    %swap3A = arith.constant 0 : index
    %swap3A_12 = tpu.vector_load %arg7[%swap3A] {strides = array<i32>} : memref<512xi32, #tpu.memory_space<vmem>>, vector<16xi32>,
    %swap3A_13 = vector.shape_cast %swap3A_12 : vector<16xi32> to vector<16xi32>
    %swap3A_14 = vector.shape_cast %add3A_11 : vector<16xi32> to vector<16xi32>
    tpu.vector_store %arg7[%swap3A], %swap3A_14 {strides = array<i32>} : memref<512xi32, #tpu.memory_space<vmem>>, vector<16xi32>,
    %get3A_15 = arith.constant 16 : index
    %get3A_16 = tpu.vector_load %arg6[%get3A_15] {strides = array<i32>} : memref<512xi32, #tpu.memory_space<vmem>>, vector<16xi32>,
    %get3A_17 = vector.shape_cast %get3A_16 : vector<16xi32> to vector<16xi32>
    %mul3A_18 = arith.constant 104 : i32
    %mul3A_19 = vector.broadcast %mul3A_18 : i32 to vector<16xi32>
    %mul3A_20 = arith.muli %get3A_17, %mul3A_19 : vector<16xi32>
    %get3A_21 = arith.constant 16 : index
    %get3A_22 = tpu.vector_load %arg7[%get3A_21] {strides = array<i32>} : memref<512xi32, #tpu.memory_space<vmem>>, vector<16xi32>,
    %get3A_23 = vector.shape_cast %get3A_22 : vector<16xi32> to vector<16xi32>
    %add3A_24 = arith.addi %mul3A_20, %get3A_23 : vector<16xi32>
    %swap3A_25 = arith.constant 16 : index
    %swap3A_26 = tpu.vector_load %arg7[%swap3A_25] {strides = array<i32>} : memref<512xi32, #tpu.memory_space<vmem>>, vector<16xi32>,
    %swap3A_27 = vector.shape_cast %swap3A_26 : vector<16xi32> to vector<16xi32>
    %swap3A_28 = vector.shape_cast %add3A_24 : vector<16xi32> to vector<16xi32>
    tpu.vector_store %arg7[%swap3A_25], %swap3A_28 {strides = array<i32>} : memref<512xi32, #tpu.memory_space<vmem>>, vector<16xi32>,
    %get3A_29 = arith.constant 32 : index
    %get3A_30 = tpu.vector_load %arg6[%get3A_29] {strides = array<i32>} : memref<512xi32, #tpu.memory_space<vmem>>, vector<16xi32>,
    %get3A_31 = vector.shape_cast %get3A_30 : vector<16xi32> to vector<16xi32>
    %mul3A_32 = arith.constant 104 : i32
    %mul3A_33 = vector.broadcast %mul3A_32 : i32 to vector<16xi32>
    %mul3A_34 = arith.muli %get3A_31, %mul3A_33 : vector<16xi32>
    %get3A_35 = arith.constant 32 : index
    %get3A_36 = tpu.vector_load %arg7[%get3A_35] {strides = array<i32>} : memref<512xi32, #tpu.memory_space<vmem>>, vector<16xi32>,
    %get3A_37 = vector.shape_cast %get3A_36 : vector<16xi32> to vector<16xi32>
    %add3A_38 = arith.addi %mul3A_34, %get3A_37 : vector<16xi32>
    %swap3A_39 = arith.constant 32 : index
    %swap3A_40 = tpu.vector_load %arg7[%swap3A_39] {strides = array<i32>} : memref<512xi32, #tpu.memory_space<vmem>>, vector<16xi32>,
    %swap3A_41 = vector.shape_cast %swap3A_40 : vector<16xi32> to vector<16xi32>
    %swap3A_42 = vector.shape_cast %add3A_38 : vector<16xi32> to vector<16xi32>
    tpu.vector_store %arg7[%swap3A_39], %swap3A_42 {strides = array<i32>} : memref<512xi32, #tpu.memory_space<vmem>>, vector<16xi32>,
    %get3A_43 = arith.constant 48 : index
    %get3A_44 = tpu.vector_load %arg6[%get3A_43] {strides = array<i32>} : memref<512xi32, #tpu.memory_space<vmem>>, vector<16xi32>,
    %get3A_45 = vector.shape_cast %get3A_44 : vector<16xi32> to vector<16xi32>
    %mul3A_46 = arith.constant 104 : i32
    %mul3A_47 = vector.broadcast %mul3A_46 : i32 to vector<16xi32>
    %mul3A_48 = arith.muli %get3A_45, %mul3A_47 : vector<16xi32>
    %get3A_49 = arith.constant 48 : index
    %get3A_50 = tpu.vector_load %arg7[%get3A_49] {strides = array<i32>} : memref<512xi32, #tpu.memory_space<vmem>>, vector<16xi32>,
    %get3A_51 = vector.shape_cast %get3A_50 : vector<16xi32> to vector<16xi32>
    %add3A_52 = arith.addi %mul3A_48, %get3A_51 : vector<16xi32>
    %swap3A_53 = arith.constant 48 : index
    %swap3A_54 = tpu.vector_load %arg7[%swap3A_53] {strides = array<i32>} : memref<512xi32, #tpu.memory_space<vmem>>, vector<16xi32>,
    %swap3A_55 = vector.shape_cast %swap3A_54 : vector<16xi32> to vector<16xi32>
    %swap3A_56 = vector.shape_cast %add3A_52 : vector<16xi32> to vector<16xi32>
    tpu.vector_store %arg7[%swap3A_53], %swap3A_56 {strides = array<i32>} : memref<512xi32, #tpu.memory_space<vmem>>, vector<16xi32>,
    %get3A_57 = arith.constant 64 : index
    %get3A_58 = tpu.vector_load %arg6[%get3A_57] {strides = array<i32>} : memref<512xi32, #tpu.memory_space<vmem>>, vector<16xi32>,
    %get3A_59 = vector.shape_cast %get3A_58 : vector<16xi32> to vector<16xi32>
    %mul3A_60 = arith.constant 104 : i32
    %mul3A_61 = vector.broadcast %mul3A_60 : i32 to vector<16xi32>
    %mul3A_62 = arith.muli %get3A_59, %mul3A_61 : vector<16xi32>
    %get3A_63 = arith.constant 64 : index
    %get3A_64 = tpu.vector_load %arg7[%get3A_63] {strides = array<i32>} : memref<512xi32, #tpu.memory_space<vmem>>, vector<16xi32>,
    %get3A_65 = vector.shape_cast %get3A_64 : vector<16xi32> to vector<16xi32>
    %add3A_66 = arith.addi %mul3A_62, %get3A_65 : vector<16xi32>
    %swap3A_67 = arith.constant 64 : index
    %swap3A_68 = tpu.vector_load %arg7[%swap3A_67] {strides = array<i32>} : memref<512xi32, #tpu.memory_space<vmem>>, vector<16xi32>,
    %swap3A_69 = vector.shape_cast %swap3A_68 : vector<16xi32> to vector<16xi32>
    %swap3A_70 = vector.shape_cast %add3A_66 : vector<16xi32> to vector<16xi32>
    tpu.vector_store %arg7[%swap3A_67], %swap3A_70 {strides = array<i32>} : memref<512xi32, #tpu.memory_space<vmem>>, vector<16xi32>,
    %get3A_71 = arith.constant 80 : index
    %get3A_72 = tpu.vector_load %arg6[%get3A_71] {strides = array<i32>} : memref<512xi32, #tpu.memory_space<vmem>>, vector<16xi32>,
    %get3A_73 = vector.shape_cast %get3A_72 : vector<16xi32> to vector<16xi32>
    %mul3A_74 = arith.constant 104 : i32
    %mul3A_75 = vector.broadcast %mul3A_74 : i32 to vector<16xi32>
    %mul3A_76 = arith.muli %get3A_73, %mul3A_75 : vector<16xi32>
    %get3A_77 = arith.constant 80 : index
    %get3A_78 = tpu.vector_load %arg7[%get3A_77] {strides = array<i32>} : memref<512xi32, #tpu.memory_space<vmem>>, vector<16xi32>,
    %get3A_79 = vector.shape_cast %get3A_78 : vector<16xi32> to vector<16xi32>
    %add3A_80 = arith.addi %mul3A_76, %get3A_79 : vector<16xi32>
    %swap3A_81 = arith.constant 80 : index
    %swap3A_82 = tpu.vector_load %arg7[%swap3A_81] {strides = array<i32>} : memref<512xi32, #tpu.memory_space<vmem>>, vector<16xi32>,
    %swap3A_83 = vector.shape_cast %swap3A_82 : vector<16xi32> to vector<16xi32>
    %swap3A_84 = vector.shape_cast %add3A_80 : vector<16xi32> to vector<16xi32>
    tpu.vector_store %arg7[%swap3A_81], %swap3A_84 {strides = array<i32>} : memref<512xi32, #tpu.memory_space<vmem>>, vector<16xi32>,
    %get3A_85 = arith.constant 96 : index
    %get3A_86 = tpu.vector_load %arg6[%get3A_85] {strides = array<i32>} : memref<512xi32, #tpu.memory_space<vmem>>, vector<16xi32>,
    %get3A_87 = vector.shape_cast %get3A_86 : vector<16xi32> to vector<16xi32>
    %mul3A_88 = arith.constant 104 : i32
    %mul3A_89 = vector.broadcast %mul3A_88 : i32 to vector<16xi32>
    %mul3A_90 = arith.muli %get3A_87, %mul3A_89 : vector<16xi32>
    %get3A_91 = arith.constant 96 : index
    %get3A_92 = tpu.vector_load %arg7[%get3A_91] {strides = array<i32>} : memref<512xi32, #tpu.memory_space<vmem>>, vector<16xi32>,
    %get3A_93 = vector.shape_cast %get3A_92 : vector<16xi32> to vector<16xi32>
    %add3A_94 = arith.addi %mul3A_90, %get3A_93 : vector<16xi32>
    %swap3A_95 = arith.constant 96 : index
    %swap3A_96 = tpu.vector_load %arg7[%swap3A_95] {strides = array<i32>} : memref<512xi32, #tpu.memory_space<vmem>>, vector<16xi32>,
    %swap3A_97 = vector.shape_cast %swap3A_96 : vector<16xi32> to vector<16xi32>
    %swap3A_98 = vector.shape_cast %add3A_94 : vector<16xi32> to vector<16xi32>
    tpu.vector_store %arg7[%swap3A_95], %swap3A_98 {strides = array<i32>} : memref<512xi32, #tpu.memory_space<vmem>>, vector<16xi32>,
    %get3A_99 = arith.constant 112 : index
    %get3A_100 = tpu.vector_load %arg6[%get3A_99] {strides = array<i32>} : memref<512xi32, #tpu.memory_space<vmem>>, vector<16xi32>,
    %get3A_101 = vector.shape_cast %get3A_100 : vector<16xi32> to vector<16xi32>
    %mul3A_102 = arith.constant 104 : i32
    %mul3A_103 = vector.broadcast %mul3A_102 : i32 to vector<16xi32>
    %mul3A_104 = arith.muli %get3A_101, %mul3A_103 : vector<16xi32>
    %get3A_105 = arith.constant 112 : index
    %get3A_106 = tpu.vector_load %arg7[%get3A_105] {strides = array<i32>} : memref<512xi32, #tpu.memory_space<vmem>>, vector<16xi32>,
    %get3A_107 = vector.shape_cast %get3A_106 : vector<16xi32> to vector<16xi32>
    %add3A_108 = arith.addi %mul3A_104, %get3A_107 : vector<16xi32>
    %swap3A_109 = arith.constant 112 : index
    %swap3A_110 = tpu.vector_load %arg7[%swap3A_109] {strides = array<i32>} : memref<512xi32, #tpu.memory_space<vmem>>, vector<16xi32>,
    %swap3A_111 = vector.shape_cast %swap3A_110 : vector<16xi32> to vector<16xi32>
    %swap3A_112 = vector.shape_cast %add3A_108 : vector<16xi32> to vector<16xi32>
    tpu.vector_store %arg7[%swap3A_109], %swap3A_112 {strides = array<i32>} : memref<512xi32, #tpu.memory_space<vmem>>, vector<16xi32>,
    %get3A_113 = arith.constant 128 : index
    %get3A_114 = tpu.vector_load %arg6[%get3A_113] {strides = array<i32>} : memref<512xi32, #tpu.memory_space<vmem>>, vector<16xi32>,
    %get3A_115 = vector.shape_cast %get3A_114 : vector<16xi32> to vector<16xi32>
    %mul3A_116 = arith.constant 104 : i32
    %mul3A_117 = vector.broadcast %mul3A_116 : i32 to vector<16xi32>
    %mul3A_118 = arith.muli %get3A_115, %mul3A_117 : vector<16xi32>
    %get3A_119 = arith.constant 128 : index
    %get3A_120 = tpu.vector_load %arg7[%get3A_119] {strides = array<i32>} : memref<512xi32, #tpu.memory_space<vmem>>, vector<16xi32>,
    %get3A_121 = vector.shape_cast %get3A_120 : vector<16xi32> to vector<16xi32>
    %add3A_122 = arith.addi %mul3A_118, %get3A_121 : vector<16xi32>
    %swap3A_123 = arith.constant 128 : index
    %swap3A_124 = tpu.vector_load %arg7[%swap3A_123] {strides = array<i32>} : memref<512xi32, #tpu.memory_space<vmem>>, vector<16xi32>,
    %swap3A_125 = vector.shape_cast %swap3A_124 : vector<16xi32> to vector<16xi32>
    %swap3A_126 = vector.shape_cast %add3A_122 : vector<16xi32> to vector<16xi32>
    tpu.vector_store %arg7[%swap3A_123], %swap3A_126 {strides = array<i32>} : memref<512xi32, #tpu.memory_space<vmem>>, vector<16xi32>,
    %get3A_127 = arith.constant 144 : index
    %get3A_128 = tpu.vector_load %arg6[%get3A_127] {strides = array<i32>} : memref<512xi32, #tpu.memory_space<vmem>>, vector<16xi32>,
    %get3A_129 = vector.shape_cast %get3A_128 : vector<16xi32> to vector<16xi32>
    %mul3A_130 = arith.constant 104 : i32
    %mul3A_131 = vector.broadcast %mul3A_130 : i32 to vector<16xi32>
    %mul3A_132 = arith.muli %get3A_129, %mul3A_131 : vector<16xi32>
    %get3A_133 = arith.constant 144 : index
    %get3A_134 = tpu.vector_load %arg7[%get3A_133] {strides = array<i32>} : memref<512xi32, #tpu.memory_space<vmem>>, vector<16xi32>,
    %get3A_135 = vector.shape_cast %get3A_134 : vector<16xi32> to vector<16xi32>
    %add3A_136 = arith.addi %mul3A_132, %get3A_135 : vector<16xi32>
    %swap3A_137 = arith.constant 144 : index
    %swap3A_138 = tpu.vector_load %arg7[%swap3A_137] {strides = array<i32>} : memref<512xi32, #tpu.memory_space<vmem>>, vector<16xi32>,
    %swap3A_139 = vector.shape_cast %swap3A_138 : vector<16xi32> to vector<16xi32>
    %swap3A_140 = vector.shape_cast %add3A_136 : vector<16xi32> to vector<16xi32>
    tpu.vector_store %arg7[%swap3A_137], %swap3A_140 {strides = array<i32>} : memref<512xi32, #tpu.memory_space<vmem>>, vector<16xi32>,
    %get3A_141 = arith.constant 160 : index
    %get3A_142 = tpu.vector_load %arg6[%get3A_141] {strides = array<i32>} : memref<512xi32, #tpu.memory_space<vmem>>, vector<16xi32>,
    %get3A_143 = vector.shape_cast %get3A_142 : vector<16xi32> to vector<16xi32>
    %mul3A_144 = arith.constant 104 : i32
    %mul3A_145 = vector.broadcast %mul3A_144 : i32 to vector<16xi32>
    %mul3A_146 = arith.muli %get3A_143, %mul3A_145 : vector<16xi32>
    %get3A_147 = arith.constant 160 : index
    %get3A_148 = tpu.vector_load %arg7[%get3A_147] {strides = array<i32>} : memref<512xi32, #tpu.memory_space<vmem>>, vector<16xi32>,
    %get3A_149 = vector.shape_cast %get3A_148 : vector<16xi32> to vector<16xi32>
    %add3A_150 = arith.addi %mul3A_146, %get3A_149 : vector<16xi32>
    %swap3A_151 = arith.constant 160 : index
    %swap3A_152 = tpu.vector_load %arg7[%swap3A_151] {strides = array<i32>} : memref<512xi32, #tpu.memory_space<vmem>>, vector<16xi32>,
    %swap3A_153 = vector.shape_cast %swap3A_152 : vector<16xi32> to vector<16xi32>
    %swap3A_154 = vector.shape_cast %add3A_150 : vector<16xi32> to vector<16xi32>
    tpu.vector_store %arg7[%swap3A_151], %swap3A_154 {strides = array<i32>} : memref<512xi32, #tpu.memory_space<vmem>>, vector<16xi32>,
    %get3A_155 = arith.constant 176 : index
    %get3A_156 = tpu.vector_load %arg6[%get3A_155] {strides = array<i32>} : memref<512xi32, #tpu.memory_space<vmem>>, vector<16xi32>,
    %get3A_157 = vector.shape_cast %get3A_156 : vector<16xi32> to vector<16xi32>
    %mul3A_158 = arith.constant 104 : i32
    %mul3A_159 = vector.broadcast %mul3A_158 : i32 to vector<16xi32>
    %mul3A_160 = arith.muli %get3A_157, %mul3A_159 : vector<16xi32>
    %get3A_161 = arith.constant 176 : index
    %get3A_162 = tpu.vector_load %arg7[%get3A_161] {strides = array<i32>} : memref<512xi32, #tpu.memory_space<vmem>>, vector<16xi32>,
    %get3A_163 = vector.shape_cast %get3A_162 : vector<16xi32> to vector<16xi32>
    %add3A_164 = arith.addi %mul3A_160, %get3A_163 : vector<16xi32>
    %swap3A_165 = arith.constant 176 : index
    %swap3A_166 = tpu.vector_load %arg7[%swap3A_165] {strides = array<i32>} : memref<512xi32, #tpu.memory_space<vmem>>, vector<16xi32>,
    %swap3A_167 = vector.shape_cast %swap3A_166 : vector<16xi32> to vector<16xi32>
    %swap3A_168 = vector.shape_cast %add3A_164 : vector<16xi32> to vector<16xi32>
    tpu.vector_store %arg7[%swap3A_165], %swap3A_168 {strides = array<i32>} : memref<512xi32, #tpu.memory_space<vmem>>, vector<16xi32>,
    %get3A_169 = arith.constant 192 : index
    %get3A_170 = tpu.vector_load %arg6[%get3A_169] {strides = array<i32>} : memref<512xi32, #tpu.memory_space<vmem>>, vector<16xi32>,
    %get3A_171 = vector.shape_cast %get3A_170 : vector<16xi32> to vector<16xi32>
    %mul3A_172 = arith.constant 104 : i32
    %mul3A_173 = vector.broadcast %mul3A_172 : i32 to vector<16xi32>
    %mul3A_174 = arith.muli %get3A_171, %mul3A_173 : vector<16xi32>
    %get3A_175 = arith.constant 192 : index
    %get3A_176 = tpu.vector_load %arg7[%get3A_175] {strides = array<i32>} : memref<512xi32, #tpu.memory_space<vmem>>, vector<16xi32>,
    %get3A_177 = vector.shape_cast %get3A_176 : vector<16xi32> to vector<16xi32>
    %add3A_178 = arith.addi %mul3A_174, %get3A_177 : vector<16xi32>
    %swap3A_179 = arith.constant 192 : index
    %swap3A_180 = tpu.vector_load %arg7[%swap3A_179] {strides = array<i32>} : memref<512xi32, #tpu.memory_space<vmem>>, vector<16xi32>,
    %swap3A_181 = vector.shape_cast %swap3A_180 : vector<16xi32> to vector<16xi32>
    %swap3A_182 = vector.shape_cast %add3A_178 : vector<16xi32> to vector<16xi32>
    tpu.vector_store %arg7[%swap3A_179], %swap3A_182 {strides = array<i32>} : memref<512xi32, #tpu.memory_space<vmem>>, vector<16xi32>,
    %get3A_183 = arith.constant 208 : index
    %get3A_184 = tpu.vector_load %arg6[%get3A_183] {strides = array<i32>} : memref<512xi32, #tpu.memory_space<vmem>>, vector<16xi32>,
    %get3A_185 = vector.shape_cast %get3A_184 : vector<16xi32> to vector<16xi32>
    %mul3A_186 = arith.constant 104 : i32
    %mul3A_187 = vector.broadcast %mul3A_186 : i32 to vector<16xi32>
    %mul3A_188 = arith.muli %get3A_185, %mul3A_187 : vector<16xi32>
    %get3A_189 = arith.constant 208 : index
    %get3A_190 = tpu.vector_load %arg7[%get3A_189] {strides = array<i32>} : memref<512xi32, #tpu.memory_space<vmem>>, vector<16xi32>,
    %get3A_191 = vector.shape_cast %get3A_190 : vector<16xi32> to vector<16xi32>
    %add3A_192 = arith.addi %mul3A_188, %get3A_191 : vector<16xi32>
    %swap3A_193 = arith.constant 208 : index
    %swap3A_194 = tpu.vector_load %arg7[%swap3A_193] {strides = array<i32>} : memref<512xi32, #tpu.memory_space<vmem>>, vector<16xi32>,
    %swap3A_195 = vector.shape_cast %swap3A_194 : vector<16xi32> to vector<16xi32>
    %swap3A_196 = vector.shape_cast %add3A_192 : vector<16xi32> to vector<16xi32>
    tpu.vector_store %arg7[%swap3A_193], %swap3A_196 {strides = array<i32>} : memref<512xi32, #tpu.memory_space<vmem>>, vector<16xi32>,
    %get3A_197 = arith.constant 224 : index
    %get3A_198 = tpu.vector_load %arg6[%get3A_197] {strides = array<i32>} : memref<512xi32, #tpu.memory_space<vmem>>, vector<16xi32>,
    %get3A_199 = vector.shape_cast %get3A_198 : vector<16xi32> to vector<16xi32>
    %mul3A_200 = arith.constant 104 : i32
    %mul3A_201 = vector.broadcast %mul3A_200 : i32 to vector<16xi32>
    %mul3A_202 = arith.muli %get3A_199, %mul3A_201 : vector<16xi32>
    %get3A_203 = arith.constant 224 : index
    %get3A_204 = tpu.vector_load %arg7[%get3A_203] {strides = array<i32>} : memref<512xi32, #tpu.memory_space<vmem>>, vector<16xi32>,
    %get3A_205 = vector.shape_cast %get3A_204 : vector<16xi32> to vector<16xi32>
    %add3A_206 = arith.addi %mul3A_202, %get3A_205 : vector<16xi32>
    %swap3A_207 = arith.constant 224 : index
    %swap3A_208 = tpu.vector_load %arg7[%swap3A_207] {strides = array<i32>} : memref<512xi32, #tpu.memory_space<vmem>>, vector<16xi32>,
    %swap3A_209 = vector.shape_cast %swap3A_208 : vector<16xi32> to vector<16xi32>
    %swap3A_210 = vector.shape_cast %add3A_206 : vector<16xi32> to vector<16xi32>
    tpu.vector_store %arg7[%swap3A_207], %swap3A_210 {strides = array<i32>} : memref<512xi32, #tpu.memory_space<vmem>>, vector<16xi32>,
    %get3A_211 = arith.constant 240 : index
    %get3A_212 = tpu.vector_load %arg6[%get3A_211] {strides = array<i32>} : memref<512xi32, #tpu.memory_space<vmem>>, vector<16xi32>,
    %get3A_213 = vector.shape_cast %get3A_212 : vector<16xi32> to vector<16xi32>
    %mul3A_214 = arith.constant 104 : i32
    %mul3A_215 = vector.broadcast %mul3A_214 : i32 to vector<16xi32>
    %mul3A_216 = arith.muli %get3A_213, %mul3A_215 : vector<16xi32>
    %get3A_217 = arith.constant 240 : index
    %get3A_218 = tpu.vector_load %arg7[%get3A_217] {strides = array<i32>} : memref<512xi32, #tpu.memory_space<vmem>>, vector<16xi32>,
    %get3A_219 = vector.shape_cast %get3A_218 : vector<16xi32> to vector<16xi32>
    %add3A_220 = arith.addi %mul3A_216, %get3A_219 : vector<16xi32>
    %swap3A_221 = arith.constant 240 : index
    %swap3A_222 = tpu.vector_load %arg7[%swap3A_221] {strides = array<i32>} : memref<512xi32, #tpu.memory_space<vmem>>, vector<16xi32>,
    %swap3A_223 = vector.shape_cast %swap3A_222 : vector<16xi32> to vector<16xi32>
    %swap3A_224 = vector.shape_cast %add3A_220 : vector<16xi32> to vector<16xi32>
    tpu.vector_store %arg7[%swap3A_221], %swap3A_224 {strides = array<i32>} : memref<512xi32, #tpu.memory_space<vmem>>, vector<16xi32>,
    %get3A_225 = arith.constant 256 : index
    %get3A_226 = tpu.vector_load %arg6[%get3A_225] {strides = array<i32>} : memref<512xi32, #tpu.memory_space<vmem>>, vector<16xi32>,
    %get3A_227 = vector.shape_cast %get3A_226 : vector<16xi32> to vector<16xi32>
    %mul3A_228 = arith.constant 104 : i32
    %mul3A_229 = vector.broadcast %mul3A_228 : i32 to vector<16xi32>
    %mul3A_230 = arith.muli %get3A_227, %mul3A_229 : vector<16xi32>
    %get3A_231 = arith.constant 256 : index
    %get3A_232 = tpu.vector_load %arg7[%get3A_231] {strides = array<i32>} : memref<512xi32, #tpu.memory_space<vmem>>, vector<16xi32>,
    %get3A_233 = vector.shape_cast %get3A_232 : vector<16xi32> to vector<16xi32>
    %add3A_234 = arith.addi %mul3A_230, %get3A_233 : vector<16xi32>
    %swap3A_235 = arith.constant 256 : index
    %swap3A_236 = tpu.vector_load %arg7[%swap3A_235] {strides = array<i32>} : memref<512xi32, #tpu.memory_space<vmem>>, vector<16xi32>,
    %swap3A_237 = vector.shape_cast %swap3A_236 : vector<16xi32> to vector<16xi32>
    %swap3A_238 = vector.shape_cast %add3A_234 : vector<16xi32> to vector<16xi32>
    tpu.vector_store %arg7[%swap3A_235], %swap3A_238 {strides = array<i32>} : memref<512xi32, #tpu.memory_space<vmem>>, vector<16xi32>,
    %get3A_239 = arith.constant 272 : index
    %get3A_240 = tpu.vector_load %arg6[%get3A_239] {strides = array<i32>} : memref<512xi32, #tpu.memory_space<vmem>>, vector<16xi32>,
    %get3A_241 = vector.shape_cast %get3A_240 : vector<16xi32> to vector<16xi32>
    %mul3A_242 = arith.constant 104 : i32
    %mul3A_243 = vector.broadcast %mul3A_242 : i32 to vector<16xi32>
    %mul3A_244 = arith.muli %get3A_241, %mul3A_243 : vector<16xi32>
    %get3A_245 = arith.constant 272 : index
    %get3A_246 = tpu.vector_load %arg7[%get3A_245] {strides = array<i32>} : memref<512xi32, #tpu.memory_space<vmem>>, vector<16xi32>,
    %get3A_247 = vector.shape_cast %get3A_246 : vector<16xi32> to vector<16xi32>
    %add3A_248 = arith.addi %mul3A_244, %get3A_247 : vector<16xi32>
    %swap3A_249 = arith.constant 272 : index
    %swap3A_250 = tpu.vector_load %arg7[%swap3A_249] {strides = array<i32>} : memref<512xi32, #tpu.memory_space<vmem>>, vector<16xi32>,
    %swap3A_251 = vector.shape_cast %swap3A_250 : vector<16xi32> to vector<16xi32>
    %swap3A_252 = vector.shape_cast %add3A_248 : vector<16xi32> to vector<16xi32>
    tpu.vector_store %arg7[%swap3A_249], %swap3A_252 {strides = array<i32>} : memref<512xi32, #tpu.memory_space<vmem>>, vector<16xi32>,
    %get3A_253 = arith.constant 288 : index
    %get3A_254 = tpu.vector_load %arg6[%get3A_253] {strides = array<i32>} : memref<512xi32, #tpu.memory_space<vmem>>, vector<16xi32>,
    %get3A_255 = vector.shape_cast %get3A_254 : vector<16xi32> to vector<16xi32>
    %mul3A_256 = arith.constant 104 : i32
    %mul3A_257 = vector.broadcast %mul3A_256 : i32 to vector<16xi32>
    %mul3A_258 = arith.muli %get3A_255, %mul3A_257 : vector<16xi32>
    %get3A_259 = arith.constant 288 : index
    %get3A_260 = tpu.vector_load %arg7[%get3A_259] {strides = array<i32>} : memref<512xi32, #tpu.memory_space<vmem>>, vector<16xi32>,
    %get3A_261 = vector.shape_cast %get3A_260 : vector<16xi32> to vector<16xi32>
    %add3A_262 = arith.addi %mul3A_258, %get3A_261 : vector<16xi32>
    %swap3A_263 = arith.constant 288 : index
    %swap3A_264 = tpu.vector_load %arg7[%swap3A_263] {strides = array<i32>} : memref<512xi32, #tpu.memory_space<vmem>>, vector<16xi32>,
    %swap3A_265 = vector.shape_cast %swap3A_264 : vector<16xi32> to vector<16xi32>
    %swap3A_266 = vector.shape_cast %add3A_262 : vector<16xi32> to vector<16xi32>
    tpu.vector_store %arg7[%swap3A_263], %swap3A_266 {strides = array<i32>} : memref<512xi32, #tpu.memory_space<vmem>>, vector<16xi32>,
    %get3A_267 = arith.constant 304 : index
    %get3A_268 = tpu.vector_load %arg6[%get3A_267] {strides = array<i32>} : memref<512xi32, #tpu.memory_space<vmem>>, vector<16xi32>,
    %get3A_269 = vector.shape_cast %get3A_268 : vector<16xi32> to vector<16xi32>
    %mul3A_270 = arith.constant 104 : i32
    %mul3A_271 = vector.broadcast %mul3A_270 : i32 to vector<16xi32>
    %mul3A_272 = arith.muli %get3A_269, %mul3A_271 : vector<16xi32>
    %get3A_273 = arith.constant 304 : index
    %get3A_274 = tpu.vector_load %arg7[%get3A_273] {strides = array<i32>} : memref<512xi32, #tpu.memory_space<vmem>>, vector<16xi32>,
    %get3A_275 = vector.shape_cast %get3A_274 : vector<16xi32> to vector<16xi32>
    %add3A_276 = arith.addi %mul3A_272, %get3A_275 : vector<16xi32>
    %swap3A_277 = arith.constant 304 : index
    %swap3A_278 = tpu.vector_load %arg7[%swap3A_277] {strides = array<i32>} : memref<512xi32, #tpu.memory_space<vmem>>, vector<16xi32>,
    %swap3A_279 = vector.shape_cast %swap3A_278 : vector<16xi32> to vector<16xi32>
    %swap3A_280 = vector.shape_cast %add3A_276 : vector<16xi32> to vector<16xi32>
    tpu.vector_store %arg7[%swap3A_277], %swap3A_280 {strides = array<i32>} : memref<512xi32, #tpu.memory_space<vmem>>, vector<16xi32>,
    %get3A_281 = arith.constant 320 : index
    %get3A_282 = tpu.vector_load %arg6[%get3A_281] {strides = array<i32>} : memref<512xi32, #tpu.memory_space<vmem>>, vector<16xi32>,
    %get3A_283 = vector.shape_cast %get3A_282 : vector<16xi32> to vector<16xi32>
    %mul3A_284 = arith.constant 104 : i32
    %mul3A_285 = vector.broadcast %mul3A_284 : i32 to vector<16xi32>
    %mul3A_286 = arith.muli %get3A_283, %mul3A_285 : vector<16xi32>
    %get3A_287 = arith.constant 320 : index
    %get3A_288 = tpu.vector_load %arg7[%get3A_287] {strides = array<i32>} : memref<512xi32, #tpu.memory_space<vmem>>, vector<16xi32>,
    %get3A_289 = vector.shape_cast %get3A_288 : vector<16xi32> to vector<16xi32>
    %add3A_290 = arith.addi %mul3A_286, %get3A_289 : vector<16xi32>
    %swap3A_291 = arith.constant 320 : index
    %swap3A_292 = tpu.vector_load %arg7[%swap3A_291] {strides = array<i32>} : memref<512xi32, #tpu.memory_space<vmem>>, vector<16xi32>,
    %swap3A_293 = vector.shape_cast %swap3A_292 : vector<16xi32> to vector<16xi32>
    %swap3A_294 = vector.shape_cast %add3A_290 : vector<16xi32> to vector<16xi32>
    tpu.vector_store %arg7[%swap3A_291], %swap3A_294 {strides = array<i32>} : memref<512xi32, #tpu.memory_space<vmem>>, vector<16xi32>,
    %get3A_295 = arith.constant 336 : index
    %get3A_296 = tpu.vector_load %arg6[%get3A_295] {strides = array<i32>} : memref<512xi32, #tpu.memory_space<vmem>>, vector<16xi32>,
    %get3A_297 = vector.shape_cast %get3A_296 : vector<16xi32> to vector<16xi32>
    %mul3A_298 = arith.constant 104 : i32
    %mul3A_299 = vector.broadcast %mul3A_298 : i32 to vector<16xi32>
    %mul3A_300 = arith.muli %get3A_297, %mul3A_299 : vector<16xi32>
    %get3A_301 = arith.constant 336 : index
    %get3A_302 = tpu.vector_load %arg7[%get3A_301] {strides = array<i32>} : memref<512xi32, #tpu.memory_space<vmem>>, vector<16xi32>,
    %get3A_303 = vector.shape_cast %get3A_302 : vector<16xi32> to vector<16xi32>
    %add3A_304 = arith.addi %mul3A_300, %get3A_303 : vector<16xi32>
    %swap3A_305 = arith.constant 336 : index
    %swap3A_306 = tpu.vector_load %arg7[%swap3A_305] {strides = array<i32>} : memref<512xi32, #tpu.memory_space<vmem>>, vector<16xi32>,
    %swap3A_307 = vector.shape_cast %swap3A_306 : vector<16xi32> to vector<16xi32>
    %swap3A_308 = vector.shape_cast %add3A_304 : vector<16xi32> to vector<16xi32>
    tpu.vector_store %arg7[%swap3A_305], %swap3A_308 {strides = array<i32>} : memref<512xi32, #tpu.memory_space<vmem>>, vector<16xi32>,
    %get3A_309 = arith.constant 352 : index
    %get3A_310 = tpu.vector_load %arg6[%get3A_309] {strides = array<i32>} : memref<512xi32, #tpu.memory_space<vmem>>, vector<16xi32>,
    %get3A_311 = vector.shape_cast %get3A_310 : vector<16xi32> to vector<16xi32>
    %mul3A_312 = arith.constant 104 : i32
    %mul3A_313 = vector.broadcast %mul3A_312 : i32 to vector<16xi32>
    %mul3A_314 = arith.muli %get3A_311, %mul3A_313 : vector<16xi32>
    %get3A_315 = arith.constant 352 : index
    %get3A_316 = tpu.vector_load %arg7[%get3A_315] {strides = array<i32>} : memref<512xi32, #tpu.memory_space<vmem>>, vector<16xi32>,
    %get3A_317 = vector.shape_cast %get3A_316 : vector<16xi32> to vector<16xi32>
    %add3A_318 = arith.addi %mul3A_314, %get3A_317 : vector<16xi32>
    %swap3A_319 = arith.constant 352 : index
    %swap3A_320 = tpu.vector_load %arg7[%swap3A_319] {strides = array<i32>} : memref<512xi32, #tpu.memory_space<vmem>>, vector<16xi32>,
    %swap3A_321 = vector.shape_cast %swap3A_320 : vector<16xi32> to vector<16xi32>
    %swap3A_322 = vector.shape_cast %add3A_318 : vector<16xi32> to vector<16xi32>
    tpu.vector_store %arg7[%swap3A_319], %swap3A_322 {strides = array<i32>} : memref<512xi32, #tpu.memory_space<vmem>>, vector<16xi32>,
    %get3A_323 = arith.constant 368 : index
    %get3A_324 = tpu.vector_load %arg6[%get3A_323] {strides = array<i32>} : memref<512xi32, #tpu.memory_space<vmem>>, vector<16xi32>,
    %get3A_325 = vector.shape_cast %get3A_324 : vector<16xi32> to vector<16xi32>
    %mul3A_326 = arith.constant 104 : i32
    %mul3A_327 = vector.broadcast %mul3A_326 : i32 to vector<16xi32>
    %mul3A_328 = arith.muli %get3A_325, %mul3A_327 : vector<16xi32>
    %get3A_329 = arith.constant 368 : index
    %get3A_330 = tpu.vector_load %arg7[%get3A_329] {strides = array<i32>} : memref<512xi32, #tpu.memory_space<vmem>>, vector<16xi32>,
    %get3A_331 = vector.shape_cast %get3A_330 : vector<16xi32> to vector<16xi32>
    %add3A_332 = arith.addi %mul3A_328, %get3A_331 : vector<16xi32>
    %swap3A_333 = arith.constant 368 : index
    %swap3A_334 = tpu.vector_load %arg7[%swap3A_333] {strides = array<i32>} : memref<512xi32, #tpu.memory_space<vmem>>, vector<16xi32>,
    %swap3A_335 = vector.shape_cast %swap3A_334 : vector<16xi32> to vector<16xi32>
    %swap3A_336 = vector.shape_cast %add3A_332 : vector<16xi32> to vector<16xi32>
    tpu.vector_store %arg7[%swap3A_333], %swap3A_336 {strides = array<i32>} : memref<512xi32, #tpu.memory_space<vmem>>, vector<16xi32>,
    %get3A_337 = arith.constant 384 : index
    %get3A_338 = tpu.vector_load %arg6[%get3A_337] {strides = array<i32>} : memref<512xi32, #tpu.memory_space<vmem>>, vector<16xi32>,
    %get3A_339 = vector.shape_cast %get3A_338 : vector<16xi32> to vector<16xi32>
    %mul3A_340 = arith.constant 104 : i32
    %mul3A_341 = vector.broadcast %mul3A_340 : i32 to vector<16xi32>
    %mul3A_342 = arith.muli %get3A_339, %mul3A_341 : vector<16xi32>
    %get3A_343 = arith.constant 384 : index
    %get3A_344 = tpu.vector_load %arg7[%get3A_343] {strides = array<i32>} : memref<512xi32, #tpu.memory_space<vmem>>, vector<16xi32>,
    %get3A_345 = vector.shape_cast %get3A_344 : vector<16xi32> to vector<16xi32>
    %add3A_346 = arith.addi %mul3A_342, %get3A_345 : vector<16xi32>
    %swap3A_347 = arith.constant 384 : index
    %swap3A_348 = tpu.vector_load %arg7[%swap3A_347] {strides = array<i32>} : memref<512xi32, #tpu.memory_space<vmem>>, vector<16xi32>,
    %swap3A_349 = vector.shape_cast %swap3A_348 : vector<16xi32> to vector<16xi32>
    %swap3A_350 = vector.shape_cast %add3A_346 : vector<16xi32> to vector<16xi32>
    tpu.vector_store %arg7[%swap3A_347], %swap3A_350 {strides = array<i32>} : memref<512xi32, #tpu.memory_space<vmem>>, vector<16xi32>,
    %get3A_351 = arith.constant 400 : index
    %get3A_352 = tpu.vector_load %arg6[%get3A_351] {strides = array<i32>} : memref<512xi32, #tpu.memory_space<vmem>>, vector<16xi32>,
    %get3A_353 = vector.shape_cast %get3A_352 : vector<16xi32> to vector<16xi32>
    %mul3A_354 = arith.constant 104 : i32
    %mul3A_355 = vector.broadcast %mul3A_354 : i32 to vector<16xi32>
    %mul3A_356 = arith.muli %get3A_353, %mul3A_355 : vector<16xi32>
    %get3A_357 = arith.constant 400 : index
    %get3A_358 = tpu.vector_load %arg7[%get3A_357] {strides = array<i32>} : memref<512xi32, #tpu.memory_space<vmem>>, vector<16xi32>,
    %get3A_359 = vector.shape_cast %get3A_358 : vector<16xi32> to vector<16xi32>
    %add3A_360 = arith.addi %mul3A_356, %get3A_359 : vector<16xi32>
    %swap3A_361 = arith.constant 400 : index
    %swap3A_362 = tpu.vector_load %arg7[%swap3A_361] {strides = array<i32>} : memref<512xi32, #tpu.memory_space<vmem>>, vector<16xi32>,
    %swap3A_363 = vector.shape_cast %swap3A_362 : vector<16xi32> to vector<16xi32>
    %swap3A_364 = vector.shape_cast %add3A_360 : vector<16xi32> to vector<16xi32>
    tpu.vector_store %arg7[%swap3A_361], %swap3A_364 {strides = array<i32>} : memref<512xi32, #tpu.memory_space<vmem>>, vector<16xi32>,
    %get3A_365 = arith.constant 416 : index
    %get3A_366 = tpu.vector_load %arg6[%get3A_365] {strides = array<i32>} : memref<512xi32, #tpu.memory_space<vmem>>, vector<16xi32>,
    %get3A_367 = vector.shape_cast %get3A_366 : vector<16xi32> to vector<16xi32>
    %mul3A_368 = arith.constant 104 : i32
    %mul3A_369 = vector.broadcast %mul3A_368 : i32 to vector<16xi32>
    %mul3A_370 = arith.muli %get3A_367, %mul3A_369 : vector<16xi32>
    %get3A_371 = arith.constant 416 : index
    %get3A_372 = tpu.vector_load %arg7[%get3A_371] {strides = array<i32>} : memref<512xi32, #tpu.memory_space<vmem>>, vector<16xi32>,
    %get3A_373 = vector.shape_cast %get3A_372 : vector<16xi32> to vector<16xi32>
    %add3A_374 = arith.addi %mul3A_370, %get3A_373 : vector<16xi32>
    %swap3A_375 = arith.constant 416 : index
    %swap3A_376 = tpu.vector_load %arg7[%swap3A_375] {strides = array<i32>} : memref<512xi32, #tpu.memory_space<vmem>>, vector<16xi32>,
    %swap3A_377 = vector.shape_cast %swap3A_376 : vector<16xi32> to vector<16xi32>
    %swap3A_378 = vector.shape_cast %add3A_374 : vector<16xi32> to vector<16xi32>
    tpu.vector_store %arg7[%swap3A_375], %swap3A_378 {strides = array<i32>} : memref<512xi32, #tpu.memory_space<vmem>>, vector<16xi32>,
    %get3A_379 = arith.constant 432 : index
    %get3A_380 = tpu.vector_load %arg6[%get3A_379] {strides = array<i32>} : memref<512xi32, #tpu.memory_space<vmem>>, vector<16xi32>,
    %get3A_381 = vector.shape_cast %get3A_380 : vector<16xi32> to vector<16xi32>
    %mul3A_382 = arith.constant 104 : i32
    %mul3A_383 = vector.broadcast %mul3A_382 : i32 to vector<16xi32>
    %mul3A_384 = arith.muli %get3A_381, %mul3A_383 : vector<16xi32>
    %get3A_385 = arith.constant 432 : index
    %get3A_386 = tpu.vector_load %arg7[%get3A_385] {strides = array<i32>} : memref<512xi32, #tpu.memory_space<vmem>>, vector<16xi32>,
    %get3A_387 = vector.shape_cast %get3A_386 : vector<16xi32> to vector<16xi32>
    %add3A_388 = arith.addi %mul3A_384, %get3A_387 : vector<16xi32>
    %swap3A_389 = arith.constant 432 : index
    %swap3A_390 = tpu.vector_load %arg7[%swap3A_389] {strides = array<i32>} : memref<512xi32, #tpu.memory_space<vmem>>, vector<16xi32>,
    %swap3A_391 = vector.shape_cast %swap3A_390 : vector<16xi32> to vector<16xi32>
    %swap3A_392 = vector.shape_cast %add3A_388 : vector<16xi32> to vector<16xi32>
    tpu.vector_store %arg7[%swap3A_389], %swap3A_392 {strides = array<i32>} : memref<512xi32, #tpu.memory_space<vmem>>, vector<16xi32>,
    %get3A_393 = arith.constant 448 : index
    %get3A_394 = tpu.vector_load %arg6[%get3A_393] {strides = array<i32>} : memref<512xi32, #tpu.memory_space<vmem>>, vector<16xi32>,
    %get3A_395 = vector.shape_cast %get3A_394 : vector<16xi32> to vector<16xi32>
    %mul3A_396 = arith.constant 104 : i32
    %mul3A_397 = vector.broadcast %mul3A_396 : i32 to vector<16xi32>
    %mul3A_398 = arith.muli %get3A_395, %mul3A_397 : vector<16xi32>
    %get3A_399 = arith.constant 448 : index
    %get3A_400 = tpu.vector_load %arg7[%get3A_399] {strides = array<i32>} : memref<512xi32, #tpu.memory_space<vmem>>, vector<16xi32>,
    %get3A_401 = vector.shape_cast %get3A_400 : vector<16xi32> to vector<16xi32>
    %add3A_402 = arith.addi %mul3A_398, %get3A_401 : vector<16xi32>
    %swap3A_403 = arith.constant 448 : index
    %swap3A_404 = tpu.vector_load %arg7[%swap3A_403] {strides = array<i32>} : memref<512xi32, #tpu.memory_space<vmem>>, vector<16xi32>,
    %swap3A_405 = vector.shape_cast %swap3A_404 : vector<16xi32> to vector<16xi32>
    %swap3A_406 = vector.shape_cast %add3A_402 : vector<16xi32> to vector<16xi32>
    tpu.vector_store %arg7[%swap3A_403], %swap3A_406 {strides = array<i32>} : memref<512xi32, #tpu.memory_space<vmem>>, vector<16xi32>,
    %get3A_407 = arith.constant 464 : index
    %get3A_408 = tpu.vector_load %arg6[%get3A_407] {strides = array<i32>} : memref<512xi32, #tpu.memory_space<vmem>>, vector<16xi32>,
    %get3A_409 = vector.shape_cast %get3A_408 : vector<16xi32> to vector<16xi32>
    %mul3A_410 = arith.constant 104 : i32
    %mul3A_411 = vector.broadcast %mul3A_410 : i32 to vector<16xi32>
    %mul3A_412 = arith.muli %get3A_409, %mul3A_411 : vector<16xi32>
    %get3A_413 = arith.constant 464 : index
    %get3A_414 = tpu.vector_load %arg7[%get3A_413] {strides = array<i32>} : memref<512xi32, #tpu.memory_space<vmem>>, vector<16xi32>,
    %get3A_415 = vector.shape_cast %get3A_414 : vector<16xi32> to vector<16xi32>
    %add3A_416 = arith.addi %mul3A_412, %get3A_415 : vector<16xi32>
    %swap3A_417 = arith.constant 464 : index
    %swap3A_418 = tpu.vector_load %arg7[%swap3A_417] {strides = array<i32>} : memref<512xi32, #tpu.memory_space<vmem>>, vector<16xi32>,
    %swap3A_419 = vector.shape_cast %swap3A_418 : vector<16xi32> to vector<16xi32>
    %swap3A_420 = vector.shape_cast %add3A_416 : vector<16xi32> to vector<16xi32>
    tpu.vector_store %arg7[%swap3A_417], %swap3A_420 {strides = array<i32>} : memref<512xi32, #tpu.memory_space<vmem>>, vector<16xi32>,
    %get3A_421 = arith.constant 480 : index
    %get3A_422 = tpu.vector_load %arg6[%get3A_421] {strides = array<i32>} : memref<512xi32, #tpu.memory_space<vmem>>, vector<16xi32>,
    %get3A_423 = vector.shape_cast %get3A_422 : vector<16xi32> to vector<16xi32>
    %mul3A_424 = arith.constant 104 : i32
    %mul3A_425 = vector.broadcast %mul3A_424 : i32 to vector<16xi32>
    %mul3A_426 = arith.muli %get3A_423, %mul3A_425 : vector<16xi32>
    %get3A_427 = arith.constant 480 : index
    %get3A_428 = tpu.vector_load %arg7[%get3A_427] {strides = array<i32>} : memref<512xi32, #tpu.memory_space<vmem>>, vector<16xi32>,
    %get3A_429 = vector.shape_cast %get3A_428 : vector<16xi32> to vector<16xi32>
    %add3A_430 = arith.addi %mul3A_426, %get3A_429 : vector<16xi32>
    %swap3A_431 = arith.constant 480 : index
    %swap3A_432 = tpu.vector_load %arg7[%swap3A_431] {strides = array<i32>} : memref<512xi32, #tpu.memory_space<vmem>>, vector<16xi32>,
    %swap3A_433 = vector.shape_cast %swap3A_432 : vector<16xi32> to vector<16xi32>
    %swap3A_434 = vector.shape_cast %add3A_430 : vector<16xi32> to vector<16xi32>
    tpu.vector_store %arg7[%swap3A_431], %swap3A_434 {strides = array<i32>} : memref<512xi32, #tpu.memory_space<vmem>>, vector<16xi32>,
    %get3A_435 = arith.constant 496 : index
    %get3A_436 = tpu.vector_load %arg6[%get3A_435] {strides = array<i32>} : memref<512xi32, #tpu.memory_space<vmem>>, vector<16xi32>,
    %get3A_437 = vector.shape_cast %get3A_436 : vector<16xi32> to vector<16xi32>
    %mul3A_438 = arith.constant 104 : i32
    %mul3A_439 = vector.broadcast %mul3A_438 : i32 to vector<16xi32>
    %mul3A_440 = arith.muli %get3A_437, %mul3A_439 : vector<16xi32>
    %get3A_441 = arith.constant 496 : index
    %get3A_442 = tpu.vector_load %arg7[%get3A_441] {strides = array<i32>} : memref<512xi32, #tpu.memory_space<vmem>>, vector<16xi32>,
    %get3A_443 = vector.shape_cast %get3A_442 : vector<16xi32> to vector<16xi32>
    %add3A_444 = arith.addi %mul3A_440, %get3A_443 : vector<16xi32>
    %swap3A_445 = arith.constant 496 : index
    %swap3A_446 = tpu.vector_load %arg7[%swap3A_445] {strides = array<i32>} : memref<512xi32, #tpu.memory_space<vmem>>, vector<16xi32>,
    %swap3A_447 = vector.shape_cast %swap3A_446 : vector<16xi32> to vector<16xi32>
    %swap3A_448 = vector.shape_cast %add3A_444 : vector<16xi32> to vector<16xi32>
    tpu.vector_store %arg7[%swap3A_445], %swap3A_448 {strides = array<i32>} : memref<512xi32, #tpu.memory_space<vmem>>, vector<16xi32>,
    %dma_start3A = arith.constant 0 : i32
    %dma_start3A_449 = arith.constant 0 : i32
    %dma_start3A_450 = arith.constant 0 : i32
    %dma_start3A_451 = tpu.memref_slice %arg8[%dma_start3A, %dma_start3A_449, %dma_start3A_450] : memref<2x128x128xf32, #tpu.memory_space<vmem>> -> memref<1x128x128xf32, #tpu.memory_space<vmem>>
    %dma_start3A_452 = tpu.memref_squeeze %dma_start3A_451 : memref<1x128x128xf32, #tpu.memory_space<vmem>> -> memref<128x128xf32, #tpu.memory_space<vmem>>
    %dma_start3A_453 = arith.constant 0 : i32
    %dma_start3A_454 = tpu.memref_slice %arg7[%dma_start3A_453] : memref<512xi32, #tpu.memory_space<vmem>> -> memref<128xi32, #tpu.memory_space<vmem>>
    %dma_start3A_455 = arith.constant 0 : i32
    %dma_start3A_456 = arith.constant 0 : i32
    %dma_start3A_457 = tpu.memref_slice %arg4[%dma_start3A_455, %dma_start3A_456] : memref<104000x128xf32, #tpu.memory_space<hbm>> -> memref<104000x128xf32, #tpu.memory_space<hbm>>
    tpu.enqueue_indirect_dma source(%dma_start3A_457 : memref<104000x128xf32, #tpu.memory_space<hbm>>) target(%dma_start3A_452 : memref<128x128xf32, #tpu.memory_space<vmem>>) offsets(%dma_start3A_454 : memref<128xi32, #tpu.memory_space<vmem>>) semaphore(%arg9 : memref<!tpu.dma_semaphore, #tpu.memory_space<semaphore_mem>>)
    %dma_wait3A = arith.constant 0 : i32
    %dma_wait3A_458 = arith.constant 0 : i32
    %dma_wait3A_459 = arith.constant 0 : i32
    %dma_wait3A_460 = tpu.memref_slice %arg8[%dma_wait3A, %dma_wait3A_458, %dma_wait3A_459] : memref<2x128x128xf32, #tpu.memory_space<vmem>> -> memref<1x128x128xf32, #tpu.memory_space<vmem>>
    %dma_wait3A_461 = tpu.memref_squeeze %dma_wait3A_460 : memref<1x128x128xf32, #tpu.memory_space<vmem>> -> memref<128x128xf32, #tpu.memory_space<vmem>>
    %dma_wait3A_462 = arith.constant 0 : i32
    %dma_wait3A_463 = tpu.memref_slice %arg7[%dma_wait3A_462] : memref<512xi32, #tpu.memory_space<vmem>> -> memref<128xi32, #tpu.memory_space<vmem>>
    %dma_wait3A_464 = arith.constant 0 : i32
    %dma_wait3A_465 = arith.constant 0 : i32
    %dma_wait3A_466 = tpu.memref_slice %arg4[%dma_wait3A_464, %dma_wait3A_465] : memref<104000x128xf32, #tpu.memory_space<hbm>> -> memref<104000x128xf32, #tpu.memory_space<hbm>>
    tpu.wait_indirect_dma semaphore(%arg9 : memref<!tpu.dma_semaphore, #tpu.memory_space<semaphore_mem>>) src(%dma_wait3A_466 : memref<104000x128xf32, #tpu.memory_space<hbm>>) dst(%dma_wait3A_461 : memref<128x128xf32, #tpu.memory_space<vmem>>)
    %dma_start3A_467 = arith.constant 1 : i32
    %dma_start3A_468 = arith.constant 0 : i32
    %dma_start3A_469 = arith.constant 0 : i32
    %dma_start3A_470 = tpu.memref_slice %arg8[%dma_start3A_467, %dma_start3A_468, %dma_start3A_469] : memref<2x128x128xf32, #tpu.memory_space<vmem>> -> memref<1x128x128xf32, #tpu.memory_space<vmem>>
    %dma_start3A_471 = tpu.memref_squeeze %dma_start3A_470 : memref<1x128x128xf32, #tpu.memory_space<vmem>> -> memref<128x128xf32, #tpu.memory_space<vmem>>
    %dma_start3A_472 = arith.constant 128 : i32
    %dma_start3A_473 = tpu.memref_slice %arg7[%dma_start3A_472] : memref<512xi32, #tpu.memory_space<vmem>> -> memref<128xi32, #tpu.memory_space<vmem>>
    %dma_start3A_474 = arith.constant 0 : i32
    %dma_start3A_475 = arith.constant 0 : i32
    %dma_start3A_476 = tpu.memref_slice %arg4[%dma_start3A_474, %dma_start3A_475] : memref<104000x128xf32, #tpu.memory_space<hbm>> -> memref<104000x128xf32, #tpu.memory_space<hbm>>
    tpu.enqueue_indirect_dma source(%dma_start3A_476 : memref<104000x128xf32, #tpu.memory_space<hbm>>) target(%dma_start3A_471 : memref<128x128xf32, #tpu.memory_space<vmem>>) offsets(%dma_start3A_473 : memref<128xi32, #tpu.memory_space<vmem>>) semaphore(%arg9 : memref<!tpu.dma_semaphore, #tpu.memory_space<semaphore_mem>>)
    %add3A_477 = arith.constant 0 : i32
    %add3A_478 = arith.addi %mul3A_2, %add3A_477 : i32
    %dma_start3A_479 = arith.constant 0 : i32
    %dma_start3A_480 = arith.constant 0 : i32
    %dma_start3A_481 = arith.constant 0 : i32
    %dma_start3A_482 = tpu.memref_slice %arg8[%dma_start3A_479, %dma_start3A_480, %dma_start3A_481] : memref<2x128x128xf32, #tpu.memory_space<vmem>> -> memref<1x128x128xf32, #tpu.memory_space<vmem>>
    %dma_start3A_483 = tpu.memref_squeeze %dma_start3A_482 : memref<1x128x128xf32, #tpu.memory_space<vmem>> -> memref<128x128xf32, #tpu.memory_space<vmem>>
    %dma_start3A_484 = arith.constant 0 : i32
    %dma_start3A_485 = tpu.memref_slice %arg5[%add3A_478, %dma_start3A_484] : memref<16384x128xf32, #tpu.memory_space<hbm>> -> memref<128x128xf32, #tpu.memory_space<hbm>>
    %dma_start3A_486 = arith.constant 0 : i32
    %dma_start3A_487 = tpu.memref_slice %arg5[%add3A_478, %dma_start3A_486] : memref<16384x128xf32, #tpu.memory_space<hbm>> -> memref<128x128xf32, #tpu.memory_space<hbm>>
    %dma_start3A_488 = arith.constant 0 : i32
    %dma_start3A_489 = arith.constant 0 : i32
    %dma_start3A_490 = tpu.memref_slice %arg8[%dma_start3A_479, %dma_start3A_488, %dma_start3A_489] : memref<2x128x128xf32, #tpu.memory_space<vmem>> -> memref<1x128x128xf32, #tpu.memory_space<vmem>>
    %dma_start3A_491 = tpu.memref_squeeze %dma_start3A_490 : memref<1x128x128xf32, #tpu.memory_space<vmem>> -> memref<128x128xf32, #tpu.memory_space<vmem>>
    tpu.enqueue_dma source(%dma_start3A_491 : memref<128x128xf32, #tpu.memory_space<vmem>>) target(%dma_start3A_487 : memref<128x128xf32, #tpu.memory_space<hbm>>) target_semaphore(%arg10 : memref<!tpu.dma_semaphore, #tpu.memory_space<semaphore_mem>>)
    %dma_wait3A_492 = arith.constant 1 : i32
    %dma_wait3A_493 = arith.constant 0 : i32
    %dma_wait3A_494 = arith.constant 0 : i32
    %dma_wait3A_495 = tpu.memref_slice %arg8[%dma_wait3A_492, %dma_wait3A_493, %dma_wait3A_494] : memref<2x128x128xf32, #tpu.memory_space<vmem>> -> memref<1x128x128xf32, #tpu.memory_space<vmem>>
    %dma_wait3A_496 = tpu.memref_squeeze %dma_wait3A_495 : memref<1x128x128xf32, #tpu.memory_space<vmem>> -> memref<128x128xf32, #tpu.memory_space<vmem>>
    %dma_wait3A_497 = arith.constant 128 : i32
    %dma_wait3A_498 = tpu.memref_slice %arg7[%dma_wait3A_497] : memref<512xi32, #tpu.memory_space<vmem>> -> memref<128xi32, #tpu.memory_space<vmem>>
    %dma_wait3A_499 = arith.constant 0 : i32
    %dma_wait3A_500 = arith.constant 0 : i32
    %dma_wait3A_501 = tpu.memref_slice %arg4[%dma_wait3A_499, %dma_wait3A_500] : memref<104000x128xf32, #tpu.memory_space<hbm>> -> memref<104000x128xf32, #tpu.memory_space<hbm>>
    tpu.wait_indirect_dma semaphore(%arg9 : memref<!tpu.dma_semaphore, #tpu.memory_space<semaphore_mem>>) src(%dma_wait3A_501 : memref<104000x128xf32, #tpu.memory_space<hbm>>) dst(%dma_wait3A_496 : memref<128x128xf32, #tpu.memory_space<vmem>>)
    %dma_start3A_502 = arith.constant 0 : i32
    %dma_start3A_503 = arith.constant 0 : i32
    %dma_start3A_504 = arith.constant 0 : i32
    %dma_start3A_505 = tpu.memref_slice %arg8[%dma_start3A_502, %dma_start3A_503, %dma_start3A_504] : memref<2x128x128xf32, #tpu.memory_space<vmem>> -> memref<1x128x128xf32, #tpu.memory_space<vmem>>
    %dma_start3A_506 = tpu.memref_squeeze %dma_start3A_505 : memref<1x128x128xf32, #tpu.memory_space<vmem>> -> memref<128x128xf32, #tpu.memory_space<vmem>>
    %dma_start3A_507 = arith.constant 256 : i32
    %dma_start3A_508 = tpu.memref_slice %arg7[%dma_start3A_507] : memref<512xi32, #tpu.memory_space<vmem>> -> memref<128xi32, #tpu.memory_space<vmem>>
    %dma_start3A_509 = arith.constant 0 : i32
    %dma_start3A_510 = arith.constant 0 : i32
    %dma_start3A_511 = tpu.memref_slice %arg4[%dma_start3A_509, %dma_start3A_510] : memref<104000x128xf32, #tpu.memory_space<hbm>> -> memref<104000x128xf32, #tpu.memory_space<hbm>>
    tpu.enqueue_indirect_dma source(%dma_start3A_511 : memref<104000x128xf32, #tpu.memory_space<hbm>>) target(%dma_start3A_506 : memref<128x128xf32, #tpu.memory_space<vmem>>) offsets(%dma_start3A_508 : memref<128xi32, #tpu.memory_space<vmem>>) semaphore(%arg9 : memref<!tpu.dma_semaphore, #tpu.memory_space<semaphore_mem>>)
    %add3A_512 = arith.constant 128 : i32
    %add3A_513 = arith.addi %mul3A_2, %add3A_512 : i32
    %dma_start3A_514 = arith.constant 1 : i32
    %dma_start3A_515 = arith.constant 0 : i32
    %dma_start3A_516 = arith.constant 0 : i32
    %dma_start3A_517 = tpu.memref_slice %arg8[%dma_start3A_514, %dma_start3A_515, %dma_start3A_516] : memref<2x128x128xf32, #tpu.memory_space<vmem>> -> memref<1x128x128xf32, #tpu.memory_space<vmem>>
    %dma_start3A_518 = tpu.memref_squeeze %dma_start3A_517 : memref<1x128x128xf32, #tpu.memory_space<vmem>> -> memref<128x128xf32, #tpu.memory_space<vmem>>
    %dma_start3A_519 = arith.constant 0 : i32
    %dma_start3A_520 = tpu.memref_slice %arg5[%add3A_513, %dma_start3A_519] : memref<16384x128xf32, #tpu.memory_space<hbm>> -> memref<128x128xf32, #tpu.memory_space<hbm>>
    %dma_start3A_521 = arith.constant 0 : i32
    %dma_start3A_522 = tpu.memref_slice %arg5[%add3A_513, %dma_start3A_521] : memref<16384x128xf32, #tpu.memory_space<hbm>> -> memref<128x128xf32, #tpu.memory_space<hbm>>
    %dma_start3A_523 = arith.constant 0 : i32
    %dma_start3A_524 = arith.constant 0 : i32
    %dma_start3A_525 = tpu.memref_slice %arg8[%dma_start3A_514, %dma_start3A_523, %dma_start3A_524] : memref<2x128x128xf32, #tpu.memory_space<vmem>> -> memref<1x128x128xf32, #tpu.memory_space<vmem>>
    %dma_start3A_526 = tpu.memref_squeeze %dma_start3A_525 : memref<1x128x128xf32, #tpu.memory_space<vmem>> -> memref<128x128xf32, #tpu.memory_space<vmem>>
    tpu.enqueue_dma source(%dma_start3A_526 : memref<128x128xf32, #tpu.memory_space<vmem>>) target(%dma_start3A_522 : memref<128x128xf32, #tpu.memory_space<hbm>>) target_semaphore(%arg10 : memref<!tpu.dma_semaphore, #tpu.memory_space<semaphore_mem>>)
    %dma_wait3A_527 = arith.constant 0 : i32
    %dma_wait3A_528 = arith.constant 0 : i32
    %dma_wait3A_529 = arith.constant 0 : i32
    %dma_wait3A_530 = tpu.memref_slice %arg8[%dma_wait3A_527, %dma_wait3A_528, %dma_wait3A_529] : memref<2x128x128xf32, #tpu.memory_space<vmem>> -> memref<1x128x128xf32, #tpu.memory_space<vmem>>
    %dma_wait3A_531 = tpu.memref_squeeze %dma_wait3A_530 : memref<1x128x128xf32, #tpu.memory_space<vmem>> -> memref<128x128xf32, #tpu.memory_space<vmem>>
    %dma_wait3A_532 = arith.constant 256 : i32
    %dma_wait3A_533 = tpu.memref_slice %arg7[%dma_wait3A_532] : memref<512xi32, #tpu.memory_space<vmem>> -> memref<128xi32, #tpu.memory_space<vmem>>
    %dma_wait3A_534 = arith.constant 0 : i32
    %dma_wait3A_535 = arith.constant 0 : i32
    %dma_wait3A_536 = tpu.memref_slice %arg4[%dma_wait3A_534, %dma_wait3A_535] : memref<104000x128xf32, #tpu.memory_space<hbm>> -> memref<104000x128xf32, #tpu.memory_space<hbm>>
    tpu.wait_indirect_dma semaphore(%arg9 : memref<!tpu.dma_semaphore, #tpu.memory_space<semaphore_mem>>) src(%dma_wait3A_536 : memref<104000x128xf32, #tpu.memory_space<hbm>>) dst(%dma_wait3A_531 : memref<128x128xf32, #tpu.memory_space<vmem>>)
    %dma_start3A_537 = arith.constant 1 : i32
    %dma_start3A_538 = arith.constant 0 : i32
    %dma_start3A_539 = arith.constant 0 : i32
    %dma_start3A_540 = tpu.memref_slice %arg8[%dma_start3A_537, %dma_start3A_538, %dma_start3A_539] : memref<2x128x128xf32, #tpu.memory_space<vmem>> -> memref<1x128x128xf32, #tpu.memory_space<vmem>>
    %dma_start3A_541 = tpu.memref_squeeze %dma_start3A_540 : memref<1x128x128xf32, #tpu.memory_space<vmem>> -> memref<128x128xf32, #tpu.memory_space<vmem>>
    %dma_start3A_542 = arith.constant 384 : i32
    %dma_start3A_543 = tpu.memref_slice %arg7[%dma_start3A_542] : memref<512xi32, #tpu.memory_space<vmem>> -> memref<128xi32, #tpu.memory_space<vmem>>
    %dma_start3A_544 = arith.constant 0 : i32
    %dma_start3A_545 = arith.constant 0 : i32
    %dma_start3A_546 = tpu.memref_slice %arg4[%dma_start3A_544, %dma_start3A_545] : memref<104000x128xf32, #tpu.memory_space<hbm>> -> memref<104000x128xf32, #tpu.memory_space<hbm>>
    tpu.enqueue_indirect_dma source(%dma_start3A_546 : memref<104000x128xf32, #tpu.memory_space<hbm>>) target(%dma_start3A_541 : memref<128x128xf32, #tpu.memory_space<vmem>>) offsets(%dma_start3A_543 : memref<128xi32, #tpu.memory_space<vmem>>) semaphore(%arg9 : memref<!tpu.dma_semaphore, #tpu.memory_space<semaphore_mem>>)
    %dma_wait3A_547 = arith.constant 0 : i32
    %dma_wait3A_548 = arith.constant 0 : i32
    %dma_wait3A_549 = arith.constant 0 : i32
    %dma_wait3A_550 = tpu.memref_slice %arg8[%dma_wait3A_547, %dma_wait3A_548, %dma_wait3A_549] : memref<2x128x128xf32, #tpu.memory_space<vmem>> -> memref<1x128x128xf32, #tpu.memory_space<vmem>>
    %dma_wait3A_551 = tpu.memref_squeeze %dma_wait3A_550 : memref<1x128x128xf32, #tpu.memory_space<vmem>> -> memref<128x128xf32, #tpu.memory_space<vmem>>
    %dma_wait3A_552 = arith.constant 0 : i32
    %dma_wait3A_553 = tpu.memref_slice %arg5[%add3A_478, %dma_wait3A_552] : memref<16384x128xf32, #tpu.memory_space<hbm>> -> memref<128x128xf32, #tpu.memory_space<hbm>>
    %dma_wait3A_554 = arith.constant 0 : i32
    %dma_wait3A_555 = tpu.memref_slice %arg5[%add3A_478, %dma_wait3A_554] : memref<16384x128xf32, #tpu.memory_space<hbm>> -> memref<128x128xf32, #tpu.memory_space<hbm>>
    %dma_wait3A_556 = arith.constant 0 : i32
    %dma_wait3A_557 = arith.constant 0 : i32
    %dma_wait3A_558 = tpu.memref_slice %arg8[%dma_wait3A_547, %dma_wait3A_556, %dma_wait3A_557] : memref<2x128x128xf32, #tpu.memory_space<vmem>> -> memref<1x128x128xf32, #tpu.memory_space<vmem>>
    %dma_wait3A_559 = tpu.memref_squeeze %dma_wait3A_558 : memref<1x128x128xf32, #tpu.memory_space<vmem>> -> memref<128x128xf32, #tpu.memory_space<vmem>>
    tpu.wait_dma2 semaphore(%arg10 : memref<!tpu.dma_semaphore, #tpu.memory_space<semaphore_mem>>) src(%dma_wait3A_559 : memref<128x128xf32, #tpu.memory_space<vmem>>) dst(%dma_wait3A_555 : memref<128x128xf32, #tpu.memory_space<hbm>>)
    %add3A_560 = arith.constant 256 : i32
    %add3A_561 = arith.addi %mul3A_2, %add3A_560 : i32
    %dma_start3A_562 = arith.constant 0 : i32
    %dma_start3A_563 = arith.constant 0 : i32
    %dma_start3A_564 = arith.constant 0 : i32
    %dma_start3A_565 = tpu.memref_slice %arg8[%dma_start3A_562, %dma_start3A_563, %dma_start3A_564] : memref<2x128x128xf32, #tpu.memory_space<vmem>> -> memref<1x128x128xf32, #tpu.memory_space<vmem>>
    %dma_start3A_566 = tpu.memref_squeeze %dma_start3A_565 : memref<1x128x128xf32, #tpu.memory_space<vmem>> -> memref<128x128xf32, #tpu.memory_space<vmem>>
    %dma_start3A_567 = arith.constant 0 : i32
    %dma_start3A_568 = tpu.memref_slice %arg5[%add3A_561, %dma_start3A_567] : memref<16384x128xf32, #tpu.memory_space<hbm>> -> memref<128x128xf32, #tpu.memory_space<hbm>>
    %dma_start3A_569 = arith.constant 0 : i32
    %dma_start3A_570 = tpu.memref_slice %arg5[%add3A_561, %dma_start3A_569] : memref<16384x128xf32, #tpu.memory_space<hbm>> -> memref<128x128xf32, #tpu.memory_space<hbm>>
    %dma_start3A_571 = arith.constant 0 : i32
    %dma_start3A_572 = arith.constant 0 : i32
    %dma_start3A_573 = tpu.memref_slice %arg8[%dma_start3A_562, %dma_start3A_571, %dma_start3A_572] : memref<2x128x128xf32, #tpu.memory_space<vmem>> -> memref<1x128x128xf32, #tpu.memory_space<vmem>>
    %dma_start3A_574 = tpu.memref_squeeze %dma_start3A_573 : memref<1x128x128xf32, #tpu.memory_space<vmem>> -> memref<128x128xf32, #tpu.memory_space<vmem>>
    tpu.enqueue_dma source(%dma_start3A_574 : memref<128x128xf32, #tpu.memory_space<vmem>>) target(%dma_start3A_570 : memref<128x128xf32, #tpu.memory_space<hbm>>) target_semaphore(%arg10 : memref<!tpu.dma_semaphore, #tpu.memory_space<semaphore_mem>>)
    %dma_wait3A_575 = arith.constant 1 : i32
    %dma_wait3A_576 = arith.constant 0 : i32
    %dma_wait3A_577 = arith.constant 0 : i32
    %dma_wait3A_578 = tpu.memref_slice %arg8[%dma_wait3A_575, %dma_wait3A_576, %dma_wait3A_577] : memref<2x128x128xf32, #tpu.memory_space<vmem>> -> memref<1x128x128xf32, #tpu.memory_space<vmem>>
    %dma_wait3A_579 = tpu.memref_squeeze %dma_wait3A_578 : memref<1x128x128xf32, #tpu.memory_space<vmem>> -> memref<128x128xf32, #tpu.memory_space<vmem>>
    %dma_wait3A_580 = arith.constant 384 : i32
    %dma_wait3A_581 = tpu.memref_slice %arg7[%dma_wait3A_580] : memref<512xi32, #tpu.memory_space<vmem>> -> memref<128xi32, #tpu.memory_space<vmem>>
    %dma_wait3A_582 = arith.constant 0 : i32
    %dma_wait3A_583 = arith.constant 0 : i32
    %dma_wait3A_584 = tpu.memref_slice %arg4[%dma_wait3A_582, %dma_wait3A_583] : memref<104000x128xf32, #tpu.memory_space<hbm>> -> memref<104000x128xf32, #tpu.memory_space<hbm>>
    tpu.wait_indirect_dma semaphore(%arg9 : memref<!tpu.dma_semaphore, #tpu.memory_space<semaphore_mem>>) src(%dma_wait3A_584 : memref<104000x128xf32, #tpu.memory_space<hbm>>) dst(%dma_wait3A_579 : memref<128x128xf32, #tpu.memory_space<vmem>>)
    %dma_wait3A_585 = arith.constant 1 : i32
    %dma_wait3A_586 = arith.constant 0 : i32
    %dma_wait3A_587 = arith.constant 0 : i32
    %dma_wait3A_588 = tpu.memref_slice %arg8[%dma_wait3A_585, %dma_wait3A_586, %dma_wait3A_587] : memref<2x128x128xf32, #tpu.memory_space<vmem>> -> memref<1x128x128xf32, #tpu.memory_space<vmem>>
    %dma_wait3A_589 = tpu.memref_squeeze %dma_wait3A_588 : memref<1x128x128xf32, #tpu.memory_space<vmem>> -> memref<128x128xf32, #tpu.memory_space<vmem>>
    %dma_wait3A_590 = arith.constant 0 : i32
    %dma_wait3A_591 = tpu.memref_slice %arg5[%add3A_513, %dma_wait3A_590] : memref<16384x128xf32, #tpu.memory_space<hbm>> -> memref<128x128xf32, #tpu.memory_space<hbm>>
    %dma_wait3A_592 = arith.constant 0 : i32
    %dma_wait3A_593 = tpu.memref_slice %arg5[%add3A_513, %dma_wait3A_592] : memref<16384x128xf32, #tpu.memory_space<hbm>> -> memref<128x128xf32, #tpu.memory_space<hbm>>
    %dma_wait3A_594 = arith.constant 0 : i32
    %dma_wait3A_595 = arith.constant 0 : i32
    %dma_wait3A_596 = tpu.memref_slice %arg8[%dma_wait3A_585, %dma_wait3A_594, %dma_wait3A_595] : memref<2x128x128xf32, #tpu.memory_space<vmem>> -> memref<1x128x128xf32, #tpu.memory_space<vmem>>
    %dma_wait3A_597 = tpu.memref_squeeze %dma_wait3A_596 : memref<1x128x128xf32, #tpu.memory_space<vmem>> -> memref<128x128xf32, #tpu.memory_space<vmem>>
    tpu.wait_dma2 semaphore(%arg10 : memref<!tpu.dma_semaphore, #tpu.memory_space<semaphore_mem>>) src(%dma_wait3A_597 : memref<128x128xf32, #tpu.memory_space<vmem>>) dst(%dma_wait3A_593 : memref<128x128xf32, #tpu.memory_space<hbm>>)
    %add3A_598 = arith.constant 384 : i32
    %add3A_599 = arith.addi %mul3A_2, %add3A_598 : i32
    %dma_start3A_600 = arith.constant 1 : i32
    %dma_start3A_601 = arith.constant 0 : i32
    %dma_start3A_602 = arith.constant 0 : i32
    %dma_start3A_603 = tpu.memref_slice %arg8[%dma_start3A_600, %dma_start3A_601, %dma_start3A_602] : memref<2x128x128xf32, #tpu.memory_space<vmem>> -> memref<1x128x128xf32, #tpu.memory_space<vmem>>
    %dma_start3A_604 = tpu.memref_squeeze %dma_start3A_603 : memref<1x128x128xf32, #tpu.memory_space<vmem>> -> memref<128x128xf32, #tpu.memory_space<vmem>>
    %dma_start3A_605 = arith.constant 0 : i32
    %dma_start3A_606 = tpu.memref_slice %arg5[%add3A_599, %dma_start3A_605] : memref<16384x128xf32, #tpu.memory_space<hbm>> -> memref<128x128xf32, #tpu.memory_space<hbm>>
    %dma_start3A_607 = arith.constant 0 : i32
    %dma_start3A_608 = tpu.memref_slice %arg5[%add3A_599, %dma_start3A_607] : memref<16384x128xf32, #tpu.memory_space<hbm>> -> memref<128x128xf32, #tpu.memory_space<hbm>>
    %dma_start3A_609 = arith.constant 0 : i32
    %dma_start3A_610 = arith.constant 0 : i32
    %dma_start3A_611 = tpu.memref_slice %arg8[%dma_start3A_600, %dma_start3A_609, %dma_start3A_610] : memref<2x128x128xf32, #tpu.memory_space<vmem>> -> memref<1x128x128xf32, #tpu.memory_space<vmem>>
    %dma_start3A_612 = tpu.memref_squeeze %dma_start3A_611 : memref<1x128x128xf32, #tpu.memory_space<vmem>> -> memref<128x128xf32, #tpu.memory_space<vmem>>
    tpu.enqueue_dma source(%dma_start3A_612 : memref<128x128xf32, #tpu.memory_space<vmem>>) target(%dma_start3A_608 : memref<128x128xf32, #tpu.memory_space<hbm>>) target_semaphore(%arg10 : memref<!tpu.dma_semaphore, #tpu.memory_space<semaphore_mem>>)
    %dma_wait3A_613 = arith.constant 0 : i32
    %dma_wait3A_614 = arith.constant 0 : i32
    %dma_wait3A_615 = arith.constant 0 : i32
    %dma_wait3A_616 = tpu.memref_slice %arg8[%dma_wait3A_613, %dma_wait3A_614, %dma_wait3A_615] : memref<2x128x128xf32, #tpu.memory_space<vmem>> -> memref<1x128x128xf32, #tpu.memory_space<vmem>>
    %dma_wait3A_617 = tpu.memref_squeeze %dma_wait3A_616 : memref<1x128x128xf32, #tpu.memory_space<vmem>> -> memref<128x128xf32, #tpu.memory_space<vmem>>
    %dma_wait3A_618 = arith.constant 0 : i32
    %dma_wait3A_619 = tpu.memref_slice %arg5[%add3A_561, %dma_wait3A_618] : memref<16384x128xf32, #tpu.memory_space<hbm>> -> memref<128x128xf32, #tpu.memory_space<hbm>>
    %dma_wait3A_620 = arith.constant 0 : i32
    %dma_wait3A_621 = tpu.memref_slice %arg5[%add3A_561, %dma_wait3A_620] : memref<16384x128xf32, #tpu.memory_space<hbm>> -> memref<128x128xf32, #tpu.memory_space<hbm>>
    %dma_wait3A_622 = arith.constant 0 : i32
    %dma_wait3A_623 = arith.constant 0 : i32
    %dma_wait3A_624 = tpu.memref_slice %arg8[%dma_wait3A_613, %dma_wait3A_622, %dma_wait3A_623] : memref<2x128x128xf32, #tpu.memory_space<vmem>> -> memref<1x128x128xf32, #tpu.memory_space<vmem>>
    %dma_wait3A_625 = tpu.memref_squeeze %dma_wait3A_624 : memref<1x128x128xf32, #tpu.memory_space<vmem>> -> memref<128x128xf32, #tpu.memory_space<vmem>>
    tpu.wait_dma2 semaphore(%arg10 : memref<!tpu.dma_semaphore, #tpu.memory_space<semaphore_mem>>) src(%dma_wait3A_625 : memref<128x128xf32, #tpu.memory_space<vmem>>) dst(%dma_wait3A_621 : memref<128x128xf32, #tpu.memory_space<hbm>>)
    %dma_wait3A_626 = arith.constant 1 : i32
    %dma_wait3A_627 = arith.constant 0 : i32
    %dma_wait3A_628 = arith.constant 0 : i32
    %dma_wait3A_629 = tpu.memref_slice %arg8[%dma_wait3A_626, %dma_wait3A_627, %dma_wait3A_628] : memref<2x128x128xf32, #tpu.memory_space<vmem>> -> memref<1x128x128xf32, #tpu.memory_space<vmem>>
    %dma_wait3A_630 = tpu.memref_squeeze %dma_wait3A_629 : memref<1x128x128xf32, #tpu.memory_space<vmem>> -> memref<128x128xf32, #tpu.memory_space<vmem>>
    %dma_wait3A_631 = arith.constant 0 : i32
    %dma_wait3A_632 = tpu.memref_slice %arg5[%add3A_599, %dma_wait3A_631] : memref<16384x128xf32, #tpu.memory_space<hbm>> -> memref<128x128xf32, #tpu.memory_space<hbm>>
    %dma_wait3A_633 = arith.constant 0 : i32
    %dma_wait3A_634 = tpu.memref_slice %arg5[%add3A_599, %dma_wait3A_633] : memref<16384x128xf32, #tpu.memory_space<hbm>> -> memref<128x128xf32, #tpu.memory_space<hbm>>
    %dma_wait3A_635 = arith.constant 0 : i32
    %dma_wait3A_636 = arith.constant 0 : i32
    %dma_wait3A_637 = tpu.memref_slice %arg8[%dma_wait3A_626, %dma_wait3A_635, %dma_wait3A_636] : memref<2x128x128xf32, #tpu.memory_space<vmem>> -> memref<1x128x128xf32, #tpu.memory_space<vmem>>
    %dma_wait3A_638 = tpu.memref_squeeze %dma_wait3A_637 : memref<1x128x128xf32, #tpu.memory_space<vmem>> -> memref<128x128xf32, #tpu.memory_space<vmem>>
    tpu.wait_dma2 semaphore(%arg10 : memref<!tpu.dma_semaphore, #tpu.memory_space<semaphore_mem>>) src(%dma_wait3A_638 : memref<128x128xf32, #tpu.memory_space<vmem>>) dst(%dma_wait3A_634 : memref<128x128xf32, #tpu.memory_space<hbm>>)
    return
  }
}

</mosaic_0001>

<sc_bundles>
// kernel: _sc_call.3.cloned.1.call-start
scs
__scs_entry_jumppad:
0x0: {  	(pc) =	sbr.rel $0x88, $3  }
0x1: {  	(tag) =	ssettag $0x0;
	lr =	simm.s32 $0x1  }
0x2: {  	[smem:$0x3F9E] =	sst lr;
	_ =	strace $0xD0000000  }
0x3: {  	_ = 	snop  }
0x4: {  	_ = 	snop  }
0x5: {  	_ = 	snop  }
0x6: {  	_ = 	snop  }
0x7: {  	_ = 	snop  }
__scs_overlays_trampoline_lowered:
0x8: {  	[smem:$0x3FAD] =	sst s0  }
0x9: {  	[smem:$0x3FAE] =	sst s1  }
0xa: {  	[smem:$0x3FAF] =	sst s2  }
0xb: {  	[smem:$0x3FB0] =	sst s3  }
0xc: {  	[smem:$0x3FB1] =	sst s4  }
0xd: {  	[smem:$0x3FB2] =	sst s5  }
0xe: {  	[smem:$0x3FB3] =	sst s6  }
0xf: {  	[smem:$0x3FB4] =	sst s7  }
0x10: {  	[smem:$0x3FB5] =	sst s8  }
0x11: {  	[smem:$0x3FB6] =	sst s9;
	s0 =	simm.s32 @!p0 $0x0  }
0x12: {  	s1 =	sld [smem:$0x3F9C];
	s0 =	simm.s32 @p0 $0x1  }
0x13: {  	[smem:$0x3FB7] =	sst s0;
	s0 =	simm.s32 @!p1 $0x0  }
0x14: {  	s2 =	sld [smem:$0x3F9B];
	s0 =	simm.s32 @p1 $0x1  }
0x15: {  	[smem:$0x3FB8] =	sst s0;
	s0 =	simm.s32 @!p2 $0x0  }
0x16: {  	s3 =	sld [smem:$0x3FDB];
	s0 =	simm.s32 @p2 $0x1  }
0x17: {  	s4 =	simm.s32 $0x1BF5;
	[smem:$0x3FBA] =	sst s0  }
0x18: {  	s0 =	sld [smem:$0x3F9D];
	_ =	swait.ge [sflag:s4], $0x0  }
0x19: {  	s7 =	sld [smem:$0x3F9E]  }
0x1a: {  	s8 =	sadd.s32 $0xFFFFE003, lr  }
0x1b: {  	s9 =	sadd.s32 $0xFFFFFEF7, lr;
	s5 =	simm.s32 $0xFFFFFFFF;
	p2 =	slt.u32 s8, $0xFFFFF086  }
0x1c: {  	p1 =	slt.u32 s9, $0xF7A;
	s5 =	simm.s32 @!p2 $0x0  }
0x1d: {  	s5 =	simm.s32 @p1 $0x1;
	p0 =	seq.s32 s7, s2  }
0x1e: {  	s7 =	smul.u32 @!p0 $0xF7A, s2;
	p2 =	seq.s32 @!p0 s5, $0x0  }
0x1f: {  	s9 =	smul.u32 $0xF7A, s1;
	s8 =	simm.s32 @!p0 $0x1BF5;
	p2 =	por !p2, p0  }
0x20: {  	[sflag:s8] =	ssyncset.s32 @!p0 $0xFFFFF086;
	s6 =	sadd.s32 @!p0 s3, s7;
	s7 =	simm.s32 @!p0 $0x108  }
0x21: {  	s3 =	sadd.s32 s3, s9;
	s6 =	sadd.s32 @!p0 $0x88, s6;
	s7 =	simm.s32 @p2 $0x1082  }
0x22: {  	[simem:s7], [sflag:s8] =	dma.local @!p0 [hbm:s6], $0xF7A  }
0x23: {  	s9 =	sor.u32 $0xD0000000, s2;
	s6 =	simm.s32 $0x108;
	_ =	swait.ge @!p0 [sflag:s8], $0x0  }
0x24: {  	s3 =	sadd.s32 $0x88, s3;
	s6 =	simm.s32 @!p1 $0x1082;
	[sflag:s4] =	ssyncset.s32 $0xFFFFF086  }
0x25: {  	[simem:s6], [sflag:s4] =	dma.local [hbm:s3], $0xF7A  }
0x26: {  	[smem:$0x3F9E] =	sst s1;
	(tag) =	ssettag s2;
	_ =	strace s9  }
0x27: {  	s1 =	sld [smem:$0x3FAE]  }
0x28: {  	s2 =	sld [smem:$0x3FAF]  }
0x29: {  	s4 =	sld [smem:$0x3FB1]  }
0x2a: {  	p0 =	seq.s32 s5, $0x0;
	s5 =	sld [smem:$0x3FB2]  }
0x2b: {  	s6 =	sld [smem:$0x3FB3]  }
0x2c: {  	s7 =	sld [smem:$0x3FB4]  }
0x2d: {  	s3 =	simm.s32 $0x108;
	s8 =	sld [smem:$0x3FB5]  }
0x2e: {  	s3 =	simm.s32 @!p0 $0x1082;
	s9 =	sld [smem:$0x3FB6]  }
0x2f: {  	lr =	sadd.s32 s0, s3;
	s0 =	sld [smem:$0x3FAD]  }
0x30: {  	s3 =	sld [smem:$0x3FB0]  }
0x31: {  	[smem:$0x3FB9] =	sst s10  }
0x32: {  	s10 =	sld [smem:$0x3FB7];
	_ =	sdelay $0x3  }
0x33: {  	p0 =	seq.s32 s10, $0x1;
	s10 =	sld [smem:$0x3FB9];
	_ =	sdelay $0x3  }
0x34: {  	[smem:$0x3FB9] =	sst s10  }
0x35: {  	s10 =	sld [smem:$0x3FB8];
	_ =	sdelay $0x3  }
0x36: {  	p1 =	seq.s32 s10, $0x1;
	s10 =	sld [smem:$0x3FB9];
	_ =	sdelay $0x3  }
0x37: {  	[smem:$0x3FB9] =	sst s10  }
0x38: {  	s10 =	sld [smem:$0x3FBA]  }
0x39: {  	_ = 	snop;
	(pc) =	sbr.ind lr, $3  }
0x3a: {  	_ = 	snop  }
0x3b: {  	_ = 	snop  }
0x3c: {  	p2 =	seq.s32 s10, $0x1;
	s10 =	sld [smem:$0x3FB9]  }
0x3d: {  	_ =	shalt  }
0x3e: {  	_ =	shalt  }
0x3f: {  	_ =	shalt  }
0x40: {  	_ =	shalt  }
0x41: {  	_ =	shalt  }
0x42: {  	_ =	shalt  }
0x43: {  	_ =	shalt  }
0x44: {  	_ =	shalt  }
0x45: {  	_ =	shalt  }
0x46: {  	_ =	shalt  }
0x47: {  	_ =	shalt  }
0x48: {  	_ =	shalt  }
0x49: {  	_ =	shalt  }
0x4a: {  	_ =	shalt  }
0x4b: {  	_ =	shalt  }
0x4c: {  	_ =	shalt  }
0x4d: {  	_ =	shalt  }
0x4e: {  	_ =	shalt  }
0x4f: {  	_ =	shalt  }
0x50: {  	_ =	shalt  }
0x51: {  	_ =	shalt  }
0x52: {  	_ =	shalt  }
0x53: {  	_ =	shalt  }
0x54: {  	_ =	shalt  }
0x55: {  	_ =	shalt  }
0x56: {  	_ =	shalt  }
0x57: {  	_ =	shalt  }
0x58: {  	_ =	shalt  }
0x59: {  	_ =	shalt  }
0x5a: {  	_ =	shalt  }
0x5b: {  	_ =	shalt  }
0x5c: {  	_ =	shalt  }
0x5d: {  	_ =	shalt  }
0x5e: {  	_ =	shalt  }
0x5f: {  	_ =	shalt  }
0x60: {  	_ =	shalt  }
0x61: {  	_ =	shalt  }
0x62: {  	_ =	shalt  }
0x63: {  	_ =	shalt  }
0x64: {  	_ =	shalt  }
0x65: {  	_ =	shalt  }
0x66: {  	_ =	shalt  }
0x67: {  	_ =	shalt  }
0x68: {  	_ =	shalt  }
0x69: {  	_ =	shalt  }
0x6a: {  	_ =	shalt  }
0x6b: {  	_ =	shalt  }
0x6c: {  	_ =	shalt  }
0x6d: {  	_ =	shalt  }
0x6e: {  	_ =	shalt  }
0x6f: {  	_ =	shalt  }
0x70: {  	_ =	shalt  }
0x71: {  	_ =	shalt  }
0x72: {  	_ =	shalt  }
0x73: {  	_ =	shalt  }
0x74: {  	_ =	shalt  }
0x75: {  	_ =	shalt  }
0x76: {  	_ =	shalt  }
0x77: {  	_ =	shalt  }
0x78: {  	_ =	shalt  }
0x79: {  	_ =	shalt  }
0x7a: {  	_ =	shalt  }
0x7b: {  	_ =	shalt  }
0x7c: {  	_ =	shalt  }
0x7d: {  	_ =	shalt  }
0x7e: {  	_ =	shalt  }
0x7f: {  	_ =	shalt  }
0x80: {  	_ =	shalt  }
0x81: {  	_ =	shalt  }
0x82: {  	_ =	shalt  }
0x83: {  	_ =	shalt  }
0x84: {  	_ =	shalt  }
0x85: {  	_ =	shalt  }
0x86: {  	_ =	shalt  }
0x87: {  	_ =	shalt  }
.Lfunc_end0:
.L_simem_size_0:
called_computation_lowered:
.L_overlay_start_0:
0x88: {  	s2 =	sld [smem:$0x3FD9]  }
0x89: {  	s3 =	sld [smem:$0x3FFE];
	_ =	sdelay $0x1  }
0x8a: {  	s1 =	srdreg.scid  }
0x8b: {  	s0 =	sand.u32 $0x1, s1  }
0x8c: {  	s18 =	sshll.u32 s0, $0xA;
	s2 =	sadd.s32 s3, s2  }
0x8d: {  	s2 =	sadd.s32 s2, s18  }
0x8e: {  	[smem:$0x3FC5] =	sst s2  }
0x8f: {  	_ = 	snop  }
0x90: {  	s2 =	sld [smem:$0x3FC9]  }
0x91: {  	s19 =	sld [smem:$0x3FC8]  }
0x92: {  	s4 =	sld [smem:$0x3FC7]  }
0x93: {  	s5 =	sld [smem:$0x3FD0];
	(tm) =	ssettm $0x1  }
0x94: {  	s6 =	sld [smem:$0x3FFB];
	_ =	sdelay $0x3  }
0x95: {  	_ =	strace s6  }
0x96: {  	s6 =	sld [smem:$0x3FFC];
	_ =	sdelay $0x3  }
0x97: {  	_ =	strace s6  }
0x98: {  	s6 =	sld [smem:$0x3FFD];
	_ =	sdelay $0x3  }
0x99: {  	_ =	strace s6  }
0x9a: {  	_ =	strace $0x8FFFFFFF  }
0x9b: {  	s20 =	sld [smem:$0x3FDB];
	_ =	sdelay $0x1  }
0x9c: {  	s7 =	simm.s32 $_scs_section_size  }
0x9d: {  	s8 =	simm.s32 $_size__tile_overlayer_lowered;
	s9 =	simm.s32 $_tile_overlayer_lowered  }
0x9e: {  	s23 =	simm.s32 $0x1BFF;
	s22 =	sshll.u32 s9, $0x1;
	s6 =	sadd.s32 s7, s20  }
0x9f: {  	s10 =	simm.s32 $0x0;
	s21 =	sshll.u32 s8, $0x1;
	s8 =	sadd.s32 s22, s6  }
0xa0: {  	[timem:s10], [sflag:s23] =	dma.local [hbm:s8], s21  }
0xa1: {  	_ =	swait.ge [sflag:s23], s21  }
0xa2: {  	s7 =	ssub.s32 $0x0, s21;
	[sflag:s23] =	ssyncset.done $0x0  }
0xa3: {  	[sflag:s23] =	ssyncadd.s32 s7;
	_ =	sdelay $0x1  }
0xa4: {  	s24 =	simm.s32 $0x1B8B  }
0xa5: {  	_ =	swait.ge [sflag:s24], $0x1  }
0xa6: {  	[sflag:s24] =	ssyncset.done $0x0  }
0xa7: {  	s25 =	simm.s32 $0x1B8E;
	[sflag:s24] =	ssyncadd.s32 $0xFFFFFFFF  }
0xa8: {  	s26 =	simm.s32 $execute0_lowered;
	[smem:$0x3FD2] =	sst s25  }
0xa9: {  	s7 =	sshll.u32 s26, $0x1;
	_ =	strace $0x80000046;
	[dreg:$0x1] =	wrdreg $0xFFFFFFFF  }
0xaa: {  	s28 =	simm.s32 $_size_execute0_lowered;
	s6 =	sadd.s32 s6, s7;
	[dreg:$0x0] =	wrdreg $0x0  }
0xab: {  	s7 =	sshll.u32 s28, $0x1;
	[dreg:$0x2] =	wrdreg s6  }
0xac: {  	[dreg:$0x3] =	wrdreg s7  }
0xad: {  	[dreg:$0x4] =	wrdreg $0xC0  }
0xae: {  	_ =	task [dreg:s10], $0x5FFFF  }
0xaf: {  	[dreg:$0x1] =	wrdreg $0xFFFFFFFF  }
0xb0: {  	[dreg:$0x0] =	wrdreg $0x60  }
0xb1: {  	[dreg:$0x2] =	wrdreg s2  }
0xb2: {  	[dreg:$0x3] =	wrdreg s19  }
0xb3: {  	[dreg:$0x4] =	wrdreg s4  }
0xb4: {  	[dreg:$0x5] =	wrdreg s5  }
0xb5: {  	[dreg:$0x6] =	wrdreg $0x9  }
0xb6: {  	_ =	task.clear_ibuf [dreg:s10], $0x7FFFF;
	_ =	strace $0x90000046  }
0xb7: {  	s29 =	simm.s32 $0x9;
	_ =	strace $0x80000048  }
0xb8: {  	_ =	swait.ge [sflag:s29], $0x1  }
0xb9: {  	[sflag:s29] =	ssyncadd.s32 $0xFFFFFFFF  }
0xba: {  	_ =	strace $0x90000048  }
0xbb: {  	_ =	sfence  }
0xbc: {  	s30 =	sld [smem:$0x0];
	_ =	sdelay $0x2  }
0xbd: {  	s31 =	sshll.u32 s1, $0xD;
	s1 =	sshrl.u32 s1, $0x2  }
0xbe: {  	s3 =	sand.u32 $0x4000, s31;
	s1 =	sadd.s32 s1, s30  }
0xbf: {  	s0 =	sor.u32 s3, s0;
	s1 =	sshll.u32 s1, $0x11  }
0xc0: {  	s0 =	sor.u32 s1, s0  }
0xc1: {  	s0 =	sadd.s32 $0x8F2B, s0  }
0xc2: {  	[sflag:s0] =	ssyncadd.remote.s32 $0x1  }
0xc3: {  	_ =	sfence.sel $0xFFFF  }
0xc4: {  	[dreg:$0x0] =	wrdreg $0xFFFFFFFF;
	(pc) =	sbr.abs _section_cstart, $3  }
0xc5: {  	[dreg:$0x1] =	wrdreg $0xFFFFFFFF  }
0xc6: {  	_ =	task.clear_ibuf [dreg:s10], $0x2FFFF;
	_ =	strace $0x9FFFFFFF  }
0xc7: {  	(tm) =	ssettm $0x7FFFFFFF  }
tec
execute0_lowered:
.L_overlay_start_1:
0x0: {  	(tag) =	ssettag $0x1  }
0x1: {  	s4 =	rddreg [dreg:$0x0]  }
0x2: {  	s6 =	rddreg [dreg:$0x1]  }
0x3: {  	s1 =	rddreg [dreg:$0x2]  }
0x4: {  	s5 =	rddreg [dreg:$0x3]  }
0x5: {  	s0 =	rddreg [dreg:$0x4];
	s7 =	srdreg.scid  }
0x6: {  	s3 =	simm.s32 $0x0;
	s2 =	stileid.u32;
	s12 =	simm.s32 $0x200  }
0x7: {  	s13 =	simm.s32 $0x80;
	s14 =	simm.s32 $0x400;
	s15 =	simm.s32 $0x1  }
0x8: {  	s16 =	simm.s32 $0x280;
	s17 =	simm.s32 $0x4400;
	s18 =	simm.s32 $0x300  }
0x9: {  	s19 =	simm.s32 $0x380;
	s20 =	simm.s32 $0x2;
	s7 =	sand.u32 $0x1, s7  }
0xa: {  	[smem:$0x7FF] =	sst s3;
	s8 =	sshll.u32 s2, $0xA;
	s9 =	sshll.u32 s7, $0x9  }
0xb: {  	_ =	strace $0x80000047;
	s7 =	ssub.s32 $0x2, s7;
	s8 =	sor.u32 s9, s8  }
0xc: {  	s31 =	sshrl.u32 s7, $0x1;
	s10 =	sshrl.u32 s8, $0x3;
	s8 =	sshll.u32 s8, $0x4  }
0xd: {  	s11 =	ssub.s32 s7, s31;
	s4 =	sadd.s32 s4, s10;
	s5 =	sadd.s32 s5, s8  }
0xe: {  	s6 =	sadd.s32 s6, s10;
	s10 =	smax.u32 s11, $0x1;
	s11 =	simm.s32 $0x3  }
0xf: {  	s7 =	sadd.s32 $0x800, s5;
	s8 =	sadd.s32 $0x1000, s5;
	s9 =	sadd.s32 $0x1800, s5  }
.LBB2_1:
0x10: {  	[tilespmem:s3], [sflag:$0x3] =	stream.linear.gather [hbm4b:s4+s3], $0x200, $0x38;
	[tilespmem:$0x8400] =	vst v63  }
0x11: {  	_ =	swait.ge [sflag:s11], $0x200  }
0x12: {  	[sflag:s11] =	ssyncset.done $0x0  }
0x13: {  	[sflag:s11] =	ssyncadd.s32 $0xFFFFFE00  }
0x14: {  	[tilespmem:s12], [sflag:$0x3] =	stream.linear.gather [hbm4b:s6+s3], $0x200, $0x38;
	[tilespmem:$0x8400] =	vst v63  }
0x15: {  	_ =	swait.ge [sflag:s11], $0x200  }
0x16: {  	[sflag:s11] =	ssyncset.done $0x0  }
0x17: {  	[sflag:s11] =	ssyncadd.s32 $0xFFFFFE00  }
0x18: {  	v0 =	vld [tilespmem:$0x0]  }
0x19: {  	v1 =	vld [tilespmem:$0x200]  }
0x1a: {  	v2 =	vld [tilespmem:$0x10]  }
0x1b: {  	v3 =	vld [tilespmem:$0x210]  }
0x1c: {  	v4 =	vld [tilespmem:$0x20]  }
0x1d: {  	v5 =	vld [tilespmem:$0x220]  }
0x1e: {  	v6 =	vld [tilespmem:$0x30]  }
0x1f: {  	v7 =	vld [tilespmem:$0x230]  }
0x20: {  	v8 =	vld [tilespmem:$0x40]  }
0x21: {  	v9 =	vld [tilespmem:$0x240]  }
0x22: {  	v10 =	vld [tilespmem:$0x50]  }
0x23: {  	v11 =	vld [tilespmem:$0x250]  }
0x24: {  	v12 =	vld [tilespmem:$0x60]  }
0x25: {  	v13 =	vld [tilespmem:$0x260]  }
0x26: {  	v14 =	vld [tilespmem:$0x70]  }
0x27: {  	v15 =	vld [tilespmem:$0x270]  }
0x28: {  	v16 =	vld [tilespmem:$0x80]  }
0x29: {  	v17 =	vld [tilespmem:$0x280]  }
0x2a: {  	v18 =	vld [tilespmem:$0x90]  }
0x2b: {  	v19 =	vld [tilespmem:$0x290]  }
0x2c: {  	v20 =	vld [tilespmem:$0xA0]  }
0x2d: {  	v21 =	vld [tilespmem:$0x2A0]  }
0x2e: {  	v22 =	vld [tilespmem:$0xB0]  }
0x2f: {  	v23 =	vld [tilespmem:$0x2B0]  }
0x30: {  	v24 =	vld [tilespmem:$0xC0]  }
0x31: {  	v25 =	vld [tilespmem:$0x2C0]  }
0x32: {  	v26 =	vld [tilespmem:$0xD0]  }
0x33: {  	v27 =	vld [tilespmem:$0x2D0]  }
0x34: {  	v28 =	vld [tilespmem:$0xE0]  }
0x35: {  	v29 =	vld [tilespmem:$0x2E0]  }
0x36: {  	v30 =	vld [tilespmem:$0xF0]  }
0x37: {  	v31 =	vld [tilespmem:$0x2F0]  }
0x38: {  	v32 =	vld [tilespmem:$0x100]  }
0x39: {  	v33 =	vld [tilespmem:$0x300]  }
0x3a: {  	v34 =	vld [tilespmem:$0x110]  }
0x3b: {  	v35 =	vld [tilespmem:$0x310];
	v0 =	vmul.u32 $0x68, v0  }
0x3c: {  	v36 =	vld [tilespmem:$0x120];
	v2 =	vmul.u32 $0x68, v2  }
0x3d: {  	v38 =	vld [tilespmem:$0x350];
	v54 =	vmul.u32 $0x68, v4;
	v0 =	vadd.s32 v1, v0  }
0x3e: {  	v41 =	vld [tilespmem:$0x160];
	v56 =	vmul.u32 $0x68, v6;
	v55 =	vadd.s32 v3, v2;
	[tilespmem:$0x200] =	vst v0  }
0x3f: {  	v44 =	vld [tilespmem:$0x360];
	v58 =	vmul.u32 $0x68, v8;
	v57 =	vadd.s32 v5, v54;
	[tilespmem:$0x210] =	vst v55  }
0x40: {  	v47 =	vld [tilespmem:$0x170];
	v60 =	vmul.u32 $0x68, v10;
	v59 =	vadd.s32 v7, v56;
	[tilespmem:$0x220] =	vst v57  }
0x41: {  	v50 =	vld [tilespmem:$0x370];
	v62 =	vmul.u32 $0x68, v12;
	v61 =	vadd.s32 v9, v58;
	[tilespmem:$0x230] =	vst v59  }
0x42: {  	v53 =	vld [tilespmem:$0x180];
	v12 =	vmul.u32 $0x68, v14;
	v63 =	vadd.s32 v11, v60;
	[tilespmem:$0x240] =	vst v61  }
0x43: {  	v4 =	vld [tilespmem:$0x320];
	v37 =	vmul.u32 $0x68, v16;
	v14 =	vadd.s32 v13, v62;
	[tilespmem:$0x250] =	vst v63  }
0x44: {  	v6 =	vld [tilespmem:$0x140];
	v40 =	vmul.u32 $0x68, v18;
	v39 =	vadd.s32 v15, v12;
	[tilespmem:$0x260] =	vst v14  }
0x45: {  	v8 =	vld [tilespmem:$0x150];
	v43 =	vmul.u32 $0x68, v20;
	v42 =	vadd.s32 v17, v37;
	[tilespmem:$0x270] =	vst v39  }
0x46: {  	v46 =	vmul.u32 $0x68, v22;
	v22 =	vld [tilespmem:$0x1A0];
	v45 =	vadd.s32 v19, v40;
	[tilespmem:$0x280] =	vst v42  }
0x47: {  	v49 =	vmul.u32 $0x68, v24;
	v3 =	vld [tilespmem:$0x130];
	v48 =	vadd.s32 v21, v43;
	[tilespmem:$0x290] =	vst v45  }
0x48: {  	v24 =	vmul.u32 $0x68, v36;
	v36 =	vmul.u32 $0x68, v41;
	v5 =	vld [tilespmem:$0x330];
	v51 =	vadd.s32 v23, v46;
	[tilespmem:$0x2A0] =	vst v48  }
0x49: {  	v52 =	vmul.u32 $0x68, v26;
	v7 =	vld [tilespmem:$0x340];
	v54 =	vadd.s32 v25, v49;
	[tilespmem:$0x2B0] =	vst v51  }
0x4a: {  	v56 =	vld [tilespmem:$0x380];
	v58 =	vmul.u32 $0x68, v30;
	v41 =	vadd.s32 v44, v36;
	[tilespmem:$0x2C0] =	vst v54  }
0x4b: {  	v62 =	vld [tilespmem:$0x390];
	v21 =	vmul.u32 $0x68, v34;
	v57 =	vadd.s32 v27, v52;
	[tilespmem:$0x360] =	vst v41  }
0x4c: {  	v25 =	vld [tilespmem:$0x3A0];
	v55 =	vmul.u32 $0x68, v28;
	[tilespmem:$0x2D0] =	vst v57;
	v63 =	vadd.s32 v31, v58  }
0x4d: {  	v34 =	vld [tilespmem:$0x1C0];
	v61 =	vmul.u32 $0x68, v32;
	v26 =	vadd.s32 v35, v21;
	[tilespmem:$0x2F0] =	vst v63  }
0x4e: {  	v37 =	vld [tilespmem:$0x3C0];
	v60 =	vadd.s32 v29, v55;
	[tilespmem:$0x310] =	vst v26  }
0x4f: {  	v40 =	vld [tilespmem:$0x1D0];
	v39 =	vmul.u32 $0x68, v47;
	v23 =	vadd.s32 v33, v61;
	[tilespmem:$0x2E0] =	vst v60  }
0x50: {  	v43 =	vld [tilespmem:$0x3D0];
	v29 =	vadd.s32 v4, v24;
	v30 =	vmul.u32 $0x68, v6;
	[tilespmem:$0x300] =	vst v23  }
0x51: {  	v46 =	vld [tilespmem:$0x1E0];
	v33 =	vmul.u32 $0x68, v8;
	v44 =	vadd.s32 v50, v39;
	[tilespmem:$0x320] =	vst v29  }
0x52: {  	v59 =	vld [tilespmem:$0x190];
	v42 =	vmul.u32 $0x68, v53;
	[tilespmem:$0x370] =	vst v44;
	v35 =	vadd.s32 v7, v30  }
0x53: {  	v28 =	vld [tilespmem:$0x1B0];
	v48 =	vmul.u32 $0x68, v22;
	v38 =	vadd.s32 v38, v33;
	[tilespmem:$0x340] =	vst v35  }
0x54: {  	v49 =	vld [tilespmem:$0x1F0];
	v27 =	vmul.u32 $0x68, v3;
	v47 =	vadd.s32 v56, v42;
	[tilespmem:$0x350] =	vst v38  }
0x55: {  	v31 =	vld [tilespmem:$0x3B0];
	v53 =	vadd.s32 v25, v48;
	v54 =	vmul.u32 $0x68, v34;
	[tilespmem:$0x380] =	vst v47  }
0x56: {  	v52 =	vld [tilespmem:$0x3E0];
	v57 =	vmul.u32 $0x68, v40;
	[tilespmem:$0x3A0] =	vst v53;
	v32 =	vadd.s32 v5, v27  }
0x57: {  	v55 =	vld [tilespmem:$0x3F0];
	v45 =	vmul.u32 $0x68, v59;
	v58 =	vadd.s32 v37, v54;
	[tilespmem:$0x330] =	vst v32  }
0x58: {  	v51 =	vmul.u32 $0x68, v28;
	v60 =	vadd.s32 v43, v57;
	[tilespmem:$0x3C0] =	vst v58  }
0x59: {  	v59 =	vmul.u32 $0x68, v46;
	v50 =	vadd.s32 v62, v45;
	[tilespmem:$0x3D0] =	vst v60  }
0x5a: {  	v61 =	vmul.u32 $0x68, v49;
	v56 =	vadd.s32 v31, v51;
	[tilespmem:$0x390] =	vst v50  }
0x5b: {  	v62 =	vadd.s32 v52, v59;
	[tilespmem:$0x3B0] =	vst v56  }
0x5c: {  	v63 =	vadd.s32 v55, v61;
	[tilespmem:$0x3E0] =	vst v62  }
0x5d: {  	[tilespmem:$0x3F0] =	vst v63  }
0x5e: {  	[tilespmem:s14], [sflag:$0x1] =	stream.indirect.gather [hbm4b:s1+s13], $0x80, s12, s13, $0xb8;
	[tilespmem:$0x8400] =	vst v63  }
0x5f: {  	_ =	swait.ge [sflag:s15], $0x4000  }
0x60: {  	[sflag:s15] =	ssyncset.done $0x0  }
0x61: {  	[sflag:s15] =	ssyncadd.s32 $0xFFFFC000  }
0x62: {  	[tilespmem:s17], [sflag:$0x1] =	stream.indirect.gather [hbm4b:s1+s13], $0x80, s16, s13, $0xb8;
	[tilespmem:$0x8400] =	vst v63  }
0x63: {  	_ = 	snop  }
0x64: {  	[hbm4b:s5+s3] =	stream.linear.scatter [tilespmem:s14], [sflag:$0x2], $0x4000, $0x38;
	[tilespmem:$0x8400] =	vst v63  }
0x65: {  	_ =	swait.ge [sflag:s15], $0x4000  }
0x66: {  	[sflag:s15] =	ssyncset.done $0x0  }
0x67: {  	[sflag:s15] =	ssyncadd.s32 $0xFFFFC000  }
0x68: {  	[tilespmem:s14], [sflag:$0x1] =	stream.indirect.gather [hbm4b:s1+s13], $0x80, s18, s13, $0xb8;
	[tilespmem:$0x8400] =	vst v63  }
0x69: {  	_ = 	snop  }
0x6a: {  	[hbm4b:s7+s3] =	stream.linear.scatter [tilespmem:s17], [sflag:$0x2], $0x4000, $0x38;
	[tilespmem:$0x8400] =	vst v63  }
0x6b: {  	_ =	swait.ge [sflag:s15], $0x4000  }
0x6c: {  	[sflag:s15] =	ssyncset.done $0x0  }
0x6d: {  	[sflag:s15] =	ssyncadd.s32 $0xFFFFC000  }
0x6e: {  	[tilespmem:s17], [sflag:$0x1] =	stream.indirect.gather [hbm4b:s1+s13], $0x80, s19, s13, $0xb8;
	[tilespmem:$0x8400] =	vst v63  }
0x6f: {  	_ =	swait.ge [sflag:s20], $0x4000  }
0x70: {  	[sflag:s20] =	ssyncset.done $0x0  }
0x71: {  	[sflag:s20] =	ssyncadd.s32 $0xFFFFC000  }
0x72: {  	[hbm4b:s8+s3] =	stream.linear.scatter [tilespmem:s14], [sflag:$0x2], $0x4000, $0x38;
	[tilespmem:$0x8400] =	vst v63  }
0x73: {  	_ =	swait.ge [sflag:s15], $0x4000  }
0x74: {  	[sflag:s15] =	ssyncset.done $0x0  }
0x75: {  	[sflag:s15] =	ssyncadd.s32 $0xFFFFC000  }
0x76: {  	_ =	swait.ge [sflag:s20], $0x4000  }
0x77: {  	[sflag:s20] =	ssyncset.done $0x0  }
0x78: {  	[sflag:s20] =	ssyncadd.s32 $0xFFFFC000  }
0x79: {  	[hbm4b:s9+s3] =	stream.linear.scatter [tilespmem:s17], [sflag:$0x2], $0x4000, $0x38;
	[tilespmem:$0x8400] =	vst v63  }
0x7a: {  	p0 =	sne.s32 s10, $0x1;
	_ =	swait.ge [sflag:s20], $0x4000  }
.Ltmp0:
0x7b: {  	[sflag:s20] =	ssyncset.done $0x0;
	(pc) =	sbr.rel @p0 .LBB2_1-.Ltmp0, $4  }
0x7c: {  	[sflag:s20] =	ssyncadd.s32 $0xFFFFC000  }
0x7d: {  	_ =	swait.ge [sflag:s20], $0x4000  }
0x7e: {  	[sflag:s20] =	ssyncset.done $0x0  }
0x7f: {  	s10 =	sadd.s32 $0xFFFFFFFF, s10;
	[sflag:s20] =	ssyncadd.s32 $0xFFFFC000  }
0x80: {  	_ =	sfence.sel $0x180000  }
0x81: {  	[bflag:$0x0] =	sbarrier.arrive $0xFFFF  }
0x82: {  	p0 =	sne.s32 s2, $0x0;
	_ =	strace $0x90000047  }
0x83: {  	s0 =	sadd.s32 @!p0 $0x100000, s0;
	[bflag:$0x2] =	sbarrier.arrive $0xFFFF  }
0x84: {  	[sflag:s0] =	ssyncadd.tile.s32 @!p0 $0x1;
	_ =	shalt  }
.Lfunc_end2:
_tile_overlayer_lowered:
.L_overlay_start_2:
0x85: {  	(tag) =	ssettag $0x2  }
0x86: {  	s0 =	rddreg [dreg:$0x0];
	s2 =	stileid.u32  }
0x87: {  	s1 =	rddreg [dreg:$0x1];
	p0 =	sne.s32 s2, $0x0  }
0x88: {  	s3 =	rddreg [dreg:$0x2];
	[bflag:$0x3] =	sbarrier.arrive $0xFFFF;
	s2 =	simm.s32 @!p0 $0x1C03  }
0x89: {  	[timem:s3], [sflag:s2] =	dma.local @!p0 [hbm:s0], s1  }
0x8a: {  	s0 =	simm.s32 @!p0 $0x3  }
0x8b: {  	_ =	swait.ge @!p0 [sflag:s0], s1  }
0x8c: {  	s1 =	ssub.s32 @!p0 $0x0, s1;
	[sflag:s0] =	ssyncset.done @!p0 $0x0  }
0x8d: {  	[sflag:s0] =	ssyncadd.s32 @!p0 s1  }
0x8e: {  	[bflag:$0x3] =	sbarrier.arrive $0xFFFF  }
0x8f: {  	_ =	shalt  }

</sc_bundles>
